<compile_context>
chip_gen: v7x
topology: tpu7x:2x2x1
jax: 0.10.2.dev20260603
libtpu: 0.0.44.dev20260713+nightly
codegen_flags: <defaults>
</compile_context>

<pallas_src>
import functools

import jax
import jax.numpy as jnp
from jax import lax
from jax.experimental import pallas as pl
from jax.experimental.pallas import tpu as pltpu
from jax.experimental.pallas import tpu_sc as plsc

N = 10000
E = 320000
D = 128
K = 64
TEMP = 30.0

NC = 2
NS = 16
NW = NC * NS
NPAD = 10240
ROWS_PER_TILE = NPAD // NS

CH = 128
NCHUNKS = E // CH
BASE_CHUNKS = NCHUNKS // NS
EXTRA = NCHUNKS - BASE_CHUNKS * NS
SS = 3
NSS = BASE_CHUNKS // SS
NPAIR = NSS // 2

DEGW = 16
DH = D // NC

BN = 1000
NB = N // BN


def _sc_edge_agg(xlr, src2, dst2):
    mesh = plsc.VectorSubcoreMesh(core_axis_name="c", subcore_axis_name="s")

    @functools.partial(
        pl.kernel,
        mesh=mesh,
        out_type=[
            jax.ShapeDtypeStruct((NC, NPAD, DH), jnp.float32),
            jax.ShapeDtypeStruct((NC, NPAD, DEGW), jnp.float32),
        ],
        scratch_types=[
            pltpu.VMEM((2, SS, CH), jnp.int32),
            pltpu.VMEM((2, SS, CH), jnp.int32),
            pltpu.VMEM((2, SS, CH, DH), jnp.float32),
            pltpu.VMEM((CH, DEGW), jnp.float32),
            pltpu.VMEM((CH, DEGW), jnp.float32),
            pltpu.VMEM_SHARED((NPAD, DH), jnp.float32),
            pltpu.VMEM_SHARED((NPAD, DEGW), jnp.float32),
            pltpu.SemaphoreType.DMA,
            pltpu.SemaphoreType.DMA,
            pltpu.SemaphoreType.DMA,
            pltpu.SemaphoreType.DMA,
            pltpu.SemaphoreType.DMA,
            pltpu.SemaphoreType.DMA,
        ],
        compiler_params=pltpu.CompilerParams(use_tc_tiling_on_sc=False),
    )
    def body(xlr_hbm, src_hbm, dst_hbm, agg_out, deg_out,
             sidx, didx, rows, halves, dzero, acc, dacc,
             gsem0, gsem1, ssem0, ssem1, isem0, isem1):
        gsem = (gsem0, gsem1)
        ssem = (ssem0, ssem1)
        isem = (isem0, isem1)
        cid = lax.axis_index("c")
        sid = lax.axis_index("s")
        zero16 = jnp.zeros((16,), jnp.float32)
        half16 = jnp.full((16,), 0.5, jnp.float32)

        def zrow(i, carry):
            for j in range(DH // 16):
                rows[0, 0, i, pl.ds(j * 16, 16)] = zero16
            return carry
        lax.fori_loop(0, CH, zrow, 0)

        def zdeg(i, carry):
            dzero[i, pl.ds(0, 16)] = zero16
            return carry
        lax.fori_loop(0, CH, zdeg, 0)

        def orow(i, carry):
            halves[i, pl.ds(0, 16)] = half16
            return carry
        lax.fori_loop(0, CH, orow, 0)

        row0 = sid * ROWS_PER_TILE
        for kblk in range(ROWS_PER_TILE // CH):
            pltpu.sync_copy(rows.at[0, 0],
                            acc.at[pl.ds(row0 + kblk * CH, CH), :])
            pltpu.sync_copy(dzero, dacc.at[pl.ds(row0 + kblk * CH, CH), :])
        plsc.subcore_barrier()

        start = sid * BASE_CHUNKS + jnp.minimum(sid, EXTRA)

        def fire_idx(g, b):
            base = start + g * SS
            pltpu.async_copy(src_hbm.at[pl.ds(base, SS), :], sidx.at[b],
                             isem[b])
            pltpu.async_copy(dst_hbm.at[pl.ds(base, SS), :], didx.at[b],
                             isem[b])

        def fire_gathers(g, b):
            base = start + g * SS
            pltpu.make_async_copy(src_hbm.at[pl.ds(base, SS), :], sidx.at[b],
                                  isem[b]).wait()
            pltpu.make_async_copy(dst_hbm.at[pl.ds(base, SS), :], didx.at[b],
                                  isem[b]).wait()

            for r in range(SS):
                pltpu.async_copy(xlr_hbm.at[cid].at[sidx.at[b, r]],
                                 rows.at[b, r], gsem[b])

        def drain_gathers(b):
            for r in range(SS):
                pltpu.make_async_copy(xlr_hbm.at[cid].at[sidx.at[b, r]],
                                      rows.at[b, r], gsem[b]).wait()

        def fire_scatters(b):
            for r in range(SS):
                pltpu.async_copy(rows.at[b, r], acc.at[didx.at[b, r]],
                                 ssem[b], add=True)
                pltpu.async_copy(halves, dacc.at[didx.at[b, r]],
                                 ssem[b], add=True)

        def drain_scatters(b):
            for r in range(SS):
                pltpu.make_async_copy(rows.at[b, r], acc.at[didx.at[b, r]],
                                      ssem[b]).wait()
                pltpu.make_async_copy(halves, dacc.at[didx.at[b, r]],
                                      ssem[b]).wait()

        fire_idx(0, 0)
        fire_idx(1, 1)
        fire_gathers(0, 0)

        def pair(i, carry):
            fire_gathers(2 * i + 1, 1)
            drain_gathers(0)
            fire_scatters(0)
            drain_scatters(0)

            @pl.when(i < NPAIR - 1)
            def _ia():
                fire_idx(2 * i + 2, 0)
            drain_gathers(1)
            fire_scatters(1)

            @pl.when(i < NPAIR - 1)
            def _ga():
                fire_gathers(2 * i + 2, 0)
            drain_scatters(1)

            @pl.when(i < NPAIR - 1)
            def _ib():
                fire_idx(2 * i + 3, 1)
            return carry
        lax.fori_loop(0, NPAIR, pair, 0)

        @pl.when(sid < EXTRA)
        def _tail():
            base = start + BASE_CHUNKS
            pltpu.sync_copy(src_hbm.at[pl.ds(base, 1), :],
                            sidx.at[0, pl.ds(0, 1)])
            pltpu.sync_copy(dst_hbm.at[pl.ds(base, 1), :],
                            didx.at[0, pl.ds(0, 1)])

            pltpu.async_copy(xlr_hbm.at[cid].at[sidx.at[0, 0]],
                             rows.at[0, 0], gsem[0]).wait()
            pltpu.sync_copy(rows.at[0, 0], acc.at[didx.at[0, 0]], add=True)
            pltpu.sync_copy(halves, dacc.at[didx.at[0, 0]], add=True)

        plsc.subcore_barrier()

        pltpu.sync_copy(acc.at[pl.ds(row0, ROWS_PER_TILE), :],
                        agg_out.at[cid, pl.ds(row0, ROWS_PER_TILE), :])
        pltpu.sync_copy(dacc.at[pl.ds(row0, ROWS_PER_TILE), :],
                        deg_out.at[cid, pl.ds(row0, ROWS_PER_TILE), :])

    return body(xlr, src2, dst2)


def _phase_a_body(agg_ref, deg_ref, w_ref, cid_ref, z_ref, mu_ref, sums, cnts):
    i = pl.program_id(0)

    @pl.when(i == 0)
    def _init():
        sums[...] = jnp.zeros_like(sums)
        cnts[...] = jnp.zeros_like(cnts)

    h = (lax.dot_general(agg_ref[0], w_ref[0:DH, :], (((1,), (0,)), ((), ())),
                         preferred_element_type=jnp.float32)
         + lax.dot_general(agg_ref[1], w_ref[DH:D, :], (((1,), (0,)), ((), ())),
                           preferred_element_type=jnp.float32))
    dg = deg_ref[0, :, 0:1] + deg_ref[1, :, 0:1]
    h = h / jnp.maximum(dg, 1.0)
    h = jnp.maximum(h, 0.0)
    nrm = jnp.sqrt(jnp.sum(h * h, axis=1, keepdims=True))
    z = h / jnp.maximum(nrm, 1e-12)
    z_ref[...] = z

    cid = cid_ref[0]
    oht = (cid == lax.broadcasted_iota(jnp.int32, (K, 1), 0)
           ).astype(jnp.float32)
    sums[...] += lax.dot_general(oht, z, (((1,), (0,)), ((), ())),
                                 preferred_element_type=jnp.float32)
    cnts[...] += jnp.sum(oht, axis=1, keepdims=True)

    @pl.when(i == NB - 1)
    def _fin():
        mu_ref[...] = sums[...] / jnp.maximum(cnts[...], 1.0)


def _phase_a(agg, deg2, w, cids2):
    return pl.pallas_call(
        _phase_a_body,
        grid=(NB,),
        in_specs=[
            pl.BlockSpec((NC, BN, DH), lambda i: (0, i, 0)),
            pl.BlockSpec((NC, BN, DEGW), lambda i: (0, i, 0)),
            pl.BlockSpec((D, D), lambda i: (0, 0)),
            pl.BlockSpec((1, 1, BN), lambda i: (i, 0, 0)),
        ],
        out_specs=[
            pl.BlockSpec((BN, D), lambda i: (i, 0)),
            pl.BlockSpec((K, D), lambda i: (0, 0)),
        ],
        out_shape=[
            jax.ShapeDtypeStruct((N, D), jnp.float32),
            jax.ShapeDtypeStruct((K, D), jnp.float32),
        ],
        scratch_shapes=[
            pltpu.VMEM((K, D), jnp.float32),
            pltpu.VMEM((K, 1), jnp.float32),
        ],
    )(agg, deg2, w, cids2)


def _phase_b_body(z_ref, mu_ref, dist_ref, r_ref):
    z = z_ref[...]
    mu = mu_ref[...]
    d = lax.dot_general(z, mu, (((1,), (1,)), ((), ())),
                        preferred_element_type=jnp.float32)
    dist_ref[...] = d
    t = TEMP * d
    m = jnp.max(t, axis=1, keepdims=True)
    e = jnp.exp(t - m)
    r_ref[...] = e / jnp.sum(e, axis=1, keepdims=True)


def _phase_b(z_pad, mu):
    return pl.pallas_call(
        _phase_b_body,
        grid=(NB,),
        in_specs=[
            pl.BlockSpec((BN, D), lambda i: (i, 0)),
            pl.BlockSpec((K, D), lambda i: (0, 0)),
        ],
        out_specs=[
            pl.BlockSpec((BN, K), lambda i: (i, 0)),
            pl.BlockSpec((BN, K), lambda i: (i, 0)),
        ],
        out_shape=[
            jax.ShapeDtypeStruct((N, K), jnp.float32),
            jax.ShapeDtypeStruct((N, K), jnp.float32),
        ],
    )(z_pad, mu)


def kernel(x, W_enc, edge_index, community_ids):
    src2 = edge_index[0].reshape(NCHUNKS, CH)
    dst2 = edge_index[1].reshape(NCHUNKS, CH)
    xlr = jnp.stack([x[:, :DH], x[:, DH:]])
    agg2, deg2 = _sc_edge_agg(xlr, src2, dst2)
    cids2 = community_ids.reshape(NB, 1, BN)
    z, mu = _phase_a(agg2, deg2, W_enc, cids2)
    dist, r = _phase_b(z, mu)
    return (z, mu, r, dist)

# --- scband reference (transcript-rebuilt; emitter-appended) ---
"""Pipeline reference for scband-deep-graph-infomax-45208825757798 (READ-ONLY COPY).

The authoritative reference and input builder live on the scoring server;
editing this copy changes nothing except your own understanding.
"""

import jax, jax.numpy as jnp
import numpy as np

N = 10000
E = 320000
D = 128
K = 64
CLUSTER_TEMP = 30.0


def setup_inputs(seed: int = 0) -> dict:
    key = jax.random.key(seed)
    k1, k2, k3, k4 = jax.random.split(key, 4)
    x = jax.random.normal(k1, (N, D), dtype=jnp.float32)
    edge_index = jax.random.randint(k2, (2, E), 0, N, dtype=jnp.int32)
    community_ids = jax.random.randint(k3, (N,), 0, K, dtype=jnp.int32)
    bound = 1.0 / np.sqrt(D)
    W_enc = jax.random.uniform(k4, (D, D), dtype=jnp.float32, minval=-bound, maxval=bound)
    return {"x": x, "W_enc": W_enc, "edge_index": edge_index, "community_ids": community_ids}


def _encoder(x, W_enc, edge_index):
    # Simple mean-aggregation GCN encoder E(x, edge_index):
    # gather source features, linear transform, scatter-add to destination,
    # normalize by in-degree, nonlinearity.
    src = edge_index[0]
    dst = edge_index[1]
    msg = jnp.take(x, src, axis=0) @ W_enc
    agg = jax.ops.segment_sum(msg, dst, num_segments=N)
    deg = jax.ops.segment_sum(jnp.ones((E,), dtype=x.dtype), dst, num_segments=N)
    h = agg / jnp.maximum(deg, 1.0)[:, None]
    return jax.nn.relu(h)


def reference(x, W_enc, edge_index, community_ids):
    pos_z = _encoder(x, W_enc, edge_index)
    # pos_z = diag(1/||pos_z||_2) @ pos_z  (row L2 normalization)
    norms = jnp.linalg.norm(pos_z, axis=1)
    pos_z = pos_z / jnp.maximum(norms, 1e-12)[:, None]
    # per-community mean of pos_z rows (segment reduce over community ids)
    sums = jax.ops.segment_sum(pos_z, community_ids, num_segments=K)
    counts = jax.ops.segment_sum(jnp.ones((N,), dtype=pos_z.dtype), community_ids, num_segments=K)
    mu = sums / jnp.maximum(counts, 1.0)[:, None]
    dist = pos_z @ mu.T
    r = jax.nn.softmax(CLUSTER_TEMP * dist, axis=1)
    return (pos_z, mu, r, dist)

if __name__ == "__main__":
    import jax
    _d = setup_inputs()
    print(jax.jit(kernel)(*tuple(_d.values())))

</pallas_src>

<mosaic_0001>
#map = affine_map<(d0, d1) -> (0, 0, 0)>
#map1 = affine_map<(d0, d1) -> (0, 0)>
module attributes {stable_mosaic.version = 14 : i64} {
  func.func @body(%arg0: i32, %arg1: i32, %arg2: memref<2x10000x64xf32, #tpu.memory_space<hbm>>, %arg3: memref<2500x128xi32, #tpu.memory_space<hbm>>, %arg4: memref<2500x128xi32, #tpu.memory_space<hbm>>, %arg5: memref<2x10240x64xf32, #tpu.memory_space<hbm>>, %arg6: memref<2x10240x16xf32, #tpu.memory_space<hbm>>, %arg7: memref<2x3x128xi32, #tpu.memory_space<vmem>>, %arg8: memref<2x3x128xi32, #tpu.memory_space<vmem>>, %arg9: memref<2x3x128x64xf32, #tpu.memory_space<vmem>>, %arg10: memref<128x16xf32, #tpu.memory_space<vmem>>, %arg11: memref<128x16xf32, #tpu.memory_space<vmem>>, %arg12: memref<10240x64xf32, #tpu.memory_space<vmem_shared>>, %arg13: memref<10240x16xf32, #tpu.memory_space<vmem_shared>>, %arg14: memref<!tpu.dma_semaphore, #tpu.memory_space<semaphore_mem>>, %arg15: memref<!tpu.dma_semaphore, #tpu.memory_space<semaphore_mem>>, %arg16: memref<!tpu.dma_semaphore, #tpu.memory_space<semaphore_mem>>, %arg17: memref<!tpu.dma_semaphore, #tpu.memory_space<semaphore_mem>>, %arg18: memref<!tpu.dma_semaphore, #tpu.memory_space<semaphore_mem>>, %arg19: memref<!tpu.dma_semaphore, #tpu.memory_space<semaphore_mem>>) attributes {dimension_semantics = [#tpu.dimension_semantics<core_parallel>, #tpu.dimension_semantics<subcore_parallel>], iteration_bounds = array<i64: 2, 16>, scalar_prefetch = 0 : i64, scratch_operands = 13 : i64, tpu.core_type = #tpu.core_type<sc_vector_subcore>, window_params = [{transform_indices = #map}, {transform_indices = #map1}, {transform_indices = #map1}, {transform_indices = #map}, {transform_indices = #map}]} {
    %broadcast_in_dim3A = arith.constant 0.000000e+00 : f32
    %broadcast_in_dim3A_0 = vector.broadcast %broadcast_in_dim3A : f32 to vector<16xf32>
    %broadcast_in_dim3A_1 = arith.constant 5.000000e-01 : f32
    %broadcast_in_dim3A_2 = vector.broadcast %broadcast_in_dim3A_1 : f32 to vector<16xf32>
    %scan3A = arith.constant 0 : i32
    %scan3A_3 = arith.constant 0 : i32
    %scan3A_4 = arith.constant 128 : i32
    %scan3A_5 = arith.addi %scan3A_3, %scan3A_4 : i32
    %scan3A_6 = arith.constant 1 : i32
    scf.for %scan3A_198 = %scan3A_3 to %scan3A_5 step %scan3A_6  : i32 {
      %swap3A = arith.constant 0 : i32
      %swap3A_199 = arith.constant 0 : i32
      %swap3A_200 = arith.index_cast %swap3A : i32 to index
      %swap3A_201 = arith.index_cast %swap3A_199 : i32 to index
      %swap3A_202 = arith.index_cast %scan3A_198 : i32 to index
      %swap3A_203 = arith.constant 0 : index
      %swap3A_204 = tpu.vector_load %arg9[%swap3A_200, %swap3A_201, %swap3A_202, %swap3A_203] {strides = array<i32>} : memref<2x3x128x64xf32, #tpu.memory_space<vmem>>, vector<1x1x1x16xf32>,
      %swap3A_205 = vector.shape_cast %swap3A_204 : vector<1x1x1x16xf32> to vector<16xf32>
      %swap3A_206 = vector.shape_cast %broadcast_in_dim3A_0 : vector<16xf32> to vector<1x1x1x16xf32>
      tpu.vector_store %arg9[%swap3A_200, %swap3A_201, %swap3A_202, %swap3A_203], %swap3A_206 {strides = array<i32>} : memref<2x3x128x64xf32, #tpu.memory_space<vmem>>, vector<1x1x1x16xf32>,
      %swap3A_207 = arith.constant 0 : i32
      %swap3A_208 = arith.constant 0 : i32
      %swap3A_209 = arith.index_cast %swap3A_207 : i32 to index
      %swap3A_210 = arith.index_cast %swap3A_208 : i32 to index
      %swap3A_211 = arith.index_cast %scan3A_198 : i32 to index
      %swap3A_212 = arith.constant 16 : index
      %swap3A_213 = tpu.vector_load %arg9[%swap3A_209, %swap3A_210, %swap3A_211, %swap3A_212] {strides = array<i32>} : memref<2x3x128x64xf32, #tpu.memory_space<vmem>>, vector<1x1x1x16xf32>,
      %swap3A_214 = vector.shape_cast %swap3A_213 : vector<1x1x1x16xf32> to vector<16xf32>
      %swap3A_215 = vector.shape_cast %broadcast_in_dim3A_0 : vector<16xf32> to vector<1x1x1x16xf32>
      tpu.vector_store %arg9[%swap3A_209, %swap3A_210, %swap3A_211, %swap3A_212], %swap3A_215 {strides = array<i32>} : memref<2x3x128x64xf32, #tpu.memory_space<vmem>>, vector<1x1x1x16xf32>,
      %swap3A_216 = arith.constant 0 : i32
      %swap3A_217 = arith.constant 0 : i32
      %swap3A_218 = arith.index_cast %swap3A_216 : i32 to index
      %swap3A_219 = arith.index_cast %swap3A_217 : i32 to index
      %swap3A_220 = arith.index_cast %scan3A_198 : i32 to index
      %swap3A_221 = arith.constant 32 : index
      %swap3A_222 = tpu.vector_load %arg9[%swap3A_218, %swap3A_219, %swap3A_220, %swap3A_221] {strides = array<i32>} : memref<2x3x128x64xf32, #tpu.memory_space<vmem>>, vector<1x1x1x16xf32>,
      %swap3A_223 = vector.shape_cast %swap3A_222 : vector<1x1x1x16xf32> to vector<16xf32>
      %swap3A_224 = vector.shape_cast %broadcast_in_dim3A_0 : vector<16xf32> to vector<1x1x1x16xf32>
      tpu.vector_store %arg9[%swap3A_218, %swap3A_219, %swap3A_220, %swap3A_221], %swap3A_224 {strides = array<i32>} : memref<2x3x128x64xf32, #tpu.memory_space<vmem>>, vector<1x1x1x16xf32>,
      %swap3A_225 = arith.constant 0 : i32
      %swap3A_226 = arith.constant 0 : i32
      %swap3A_227 = arith.index_cast %swap3A_225 : i32 to index
      %swap3A_228 = arith.index_cast %swap3A_226 : i32 to index
      %swap3A_229 = arith.index_cast %scan3A_198 : i32 to index
      %swap3A_230 = arith.constant 48 : index
      %swap3A_231 = tpu.vector_load %arg9[%swap3A_227, %swap3A_228, %swap3A_229, %swap3A_230] {strides = array<i32>} : memref<2x3x128x64xf32, #tpu.memory_space<vmem>>, vector<1x1x1x16xf32>,
      %swap3A_232 = vector.shape_cast %swap3A_231 : vector<1x1x1x16xf32> to vector<16xf32>
      %swap3A_233 = vector.shape_cast %broadcast_in_dim3A_0 : vector<16xf32> to vector<1x1x1x16xf32>
      tpu.vector_store %arg9[%swap3A_227, %swap3A_228, %swap3A_229, %swap3A_230], %swap3A_233 {strides = array<i32>} : memref<2x3x128x64xf32, #tpu.memory_space<vmem>>, vector<1x1x1x16xf32>,
    }
    %scan3A_7 = arith.constant 128 : i32
    %scan3A_8 = arith.constant 0 : i32
    %scan3A_9 = arith.constant 0 : i32
    %scan3A_10 = arith.constant 128 : i32
    %scan3A_11 = arith.addi %scan3A_9, %scan3A_10 : i32
    %scan3A_12 = arith.constant 1 : i32
    scf.for %scan3A_198 = %scan3A_9 to %scan3A_11 step %scan3A_12  : i32 {
      %swap3A = arith.index_cast %scan3A_198 : i32 to index
      %swap3A_199 = arith.constant 0 : index
      %swap3A_200 = tpu.vector_load %arg11[%swap3A, %swap3A_199] {strides = array<i32>} : memref<128x16xf32, #tpu.memory_space<vmem>>, vector<1x16xf32>,
      %swap3A_201 = vector.shape_cast %swap3A_200 : vector<1x16xf32> to vector<16xf32>
      %swap3A_202 = vector.shape_cast %broadcast_in_dim3A_0 : vector<16xf32> to vector<1x16xf32>
      tpu.vector_store %arg11[%swap3A, %swap3A_199], %swap3A_202 {strides = array<i32>} : memref<128x16xf32, #tpu.memory_space<vmem>>, vector<1x16xf32>,
    }
    %scan3A_13 = arith.constant 128 : i32
    %scan3A_14 = arith.constant 0 : i32
    %scan3A_15 = arith.constant 0 : i32
    %scan3A_16 = arith.constant 128 : i32
    %scan3A_17 = arith.addi %scan3A_15, %scan3A_16 : i32
    %scan3A_18 = arith.constant 1 : i32
    scf.for %scan3A_198 = %scan3A_15 to %scan3A_17 step %scan3A_18  : i32 {
      %swap3A = arith.index_cast %scan3A_198 : i32 to index
      %swap3A_199 = arith.constant 0 : index
      %swap3A_200 = tpu.vector_load %arg10[%swap3A, %swap3A_199] {strides = array<i32>} : memref<128x16xf32, #tpu.memory_space<vmem>>, vector<1x16xf32>,
      %swap3A_201 = vector.shape_cast %swap3A_200 : vector<1x16xf32> to vector<16xf32>
      %swap3A_202 = vector.shape_cast %broadcast_in_dim3A_2 : vector<16xf32> to vector<1x16xf32>
      tpu.vector_store %arg10[%swap3A, %swap3A_199], %swap3A_202 {strides = array<i32>} : memref<128x16xf32, #tpu.memory_space<vmem>>, vector<1x16xf32>,
    }
    %scan3A_19 = arith.constant 128 : i32
    %mul3A = arith.constant 640 : i32
    %mul3A_20 = arith.muli %arg1, %mul3A : i32
    %add3A = arith.constant 0 : i32
    %add3A_21 = arith.addi %mul3A_20, %add3A : i32
    %run_scoped3A = arith.constant 0 : i32
    %run_scoped3A_22 = arith.constant 0 : i32
    "tpu.region"() ({
      %run_scoped3A_198 = tpu.sem_alloc : memref<!tpu.dma_semaphore, #tpu.memory_space<semaphore_mem>>
      %dma_start3A_199 = arith.constant 0 : i32
      %dma_start3A_200 = arith.constant 0 : i32
      %dma_start3A_201 = tpu.memref_slice %arg9[%run_scoped3A, %run_scoped3A_22, %dma_start3A_199, %dma_start3A_200] : memref<2x3x128x64xf32, #tpu.memory_space<vmem>> -> memref<1x1x128x64xf32, #tpu.memory_space<vmem>>
      %dma_start3A_202 = tpu.memref_squeeze %dma_start3A_201 : memref<1x1x128x64xf32, #tpu.memory_space<vmem>> -> memref<128x64xf32, #tpu.memory_space<vmem>>
      %dma_start3A_203 = arith.constant 0 : i32
      %dma_start3A_204 = tpu.memref_slice %arg12[%add3A_21, %dma_start3A_203] : memref<10240x64xf32, #tpu.memory_space<vmem_shared>> -> memref<128x64xf32, #tpu.memory_space<vmem_shared>>
      %dma_start3A_205 = arith.constant 0 : i32
      %dma_start3A_206 = tpu.memref_slice %arg12[%add3A_21, %dma_start3A_205] : memref<10240x64xf32, #tpu.memory_space<vmem_shared>> -> memref<128x64xf32, #tpu.memory_space<vmem_shared>>
      %dma_start3A_207 = arith.constant 0 : i32
      %dma_start3A_208 = arith.constant 0 : i32
      %dma_start3A_209 = tpu.memref_slice %arg9[%run_scoped3A, %run_scoped3A_22, %dma_start3A_207, %dma_start3A_208] : memref<2x3x128x64xf32, #tpu.memory_space<vmem>> -> memref<1x1x128x64xf32, #tpu.memory_space<vmem>>
      %dma_start3A_210 = tpu.memref_squeeze %dma_start3A_209 : memref<1x1x128x64xf32, #tpu.memory_space<vmem>> -> memref<128x64xf32, #tpu.memory_space<vmem>>
      tpu.enqueue_dma source(%dma_start3A_210 : memref<128x64xf32, #tpu.memory_space<vmem>>) target(%dma_start3A_206 : memref<128x64xf32, #tpu.memory_space<vmem_shared>>) target_semaphore(%run_scoped3A_198 : memref<!tpu.dma_semaphore, #tpu.memory_space<semaphore_mem>>)
      %dma_wait3A_211 = arith.constant 0 : i32
      %dma_wait3A_212 = arith.constant 0 : i32
      %dma_wait3A_213 = tpu.memref_slice %arg9[%run_scoped3A, %run_scoped3A_22, %dma_wait3A_211, %dma_wait3A_212] : memref<2x3x128x64xf32, #tpu.memory_space<vmem>> -> memref<1x1x128x64xf32, #tpu.memory_space<vmem>>
      %dma_wait3A_214 = tpu.memref_squeeze %dma_wait3A_213 : memref<1x1x128x64xf32, #tpu.memory_space<vmem>> -> memref<128x64xf32, #tpu.memory_space<vmem>>
      %dma_wait3A_215 = arith.constant 0 : i32
      %dma_wait3A_216 = tpu.memref_slice %arg12[%add3A_21, %dma_wait3A_215] : memref<10240x64xf32, #tpu.memory_space<vmem_shared>> -> memref<128x64xf32, #tpu.memory_space<vmem_shared>>
      %dma_wait3A_217 = arith.constant 0 : i32
      %dma_wait3A_218 = tpu.memref_slice %arg12[%add3A_21, %dma_wait3A_217] : memref<10240x64xf32, #tpu.memory_space<vmem_shared>> -> memref<128x64xf32, #tpu.memory_space<vmem_shared>>
      %dma_wait3A_219 = arith.constant 0 : i32
      %dma_wait3A_220 = arith.constant 0 : i32
      %dma_wait3A_221 = tpu.memref_slice %arg9[%run_scoped3A, %run_scoped3A_22, %dma_wait3A_219, %dma_wait3A_220] : memref<2x3x128x64xf32, #tpu.memory_space<vmem>> -> memref<1x1x128x64xf32, #tpu.memory_space<vmem>>
      %dma_wait3A_222 = tpu.memref_squeeze %dma_wait3A_221 : memref<1x1x128x64xf32, #tpu.memory_space<vmem>> -> memref<128x64xf32, #tpu.memory_space<vmem>>
      tpu.wait_dma2 semaphore(%run_scoped3A_198 : memref<!tpu.dma_semaphore, #tpu.memory_space<semaphore_mem>>) src(%dma_wait3A_222 : memref<128x64xf32, #tpu.memory_space<vmem>>) dst(%dma_wait3A_218 : memref<128x64xf32, #tpu.memory_space<vmem_shared>>)
      tpu.yield
    }) : () -> ()
    %add3A_23 = arith.constant 0 : i32
    %add3A_24 = arith.addi %mul3A_20, %add3A_23 : i32
    "tpu.region"() ({
      %run_scoped3A_198 = tpu.sem_alloc : memref<!tpu.dma_semaphore, #tpu.memory_space<semaphore_mem>>
      %dma_start3A_199 = arith.constant 0 : i32
      %dma_start3A_200 = tpu.memref_slice %arg13[%add3A_24, %dma_start3A_199] : memref<10240x16xf32, #tpu.memory_space<vmem_shared>> -> memref<128x16xf32, #tpu.memory_space<vmem_shared>>
      %dma_start3A_201 = arith.constant 0 : i32
      %dma_start3A_202 = tpu.memref_slice %arg13[%add3A_24, %dma_start3A_201] : memref<10240x16xf32, #tpu.memory_space<vmem_shared>> -> memref<128x16xf32, #tpu.memory_space<vmem_shared>>
      tpu.enqueue_dma source(%arg11 : memref<128x16xf32, #tpu.memory_space<vmem>>) target(%dma_start3A_202 : memref<128x16xf32, #tpu.memory_space<vmem_shared>>) target_semaphore(%run_scoped3A_198 : memref<!tpu.dma_semaphore, #tpu.memory_space<semaphore_mem>>)
      %dma_wait3A_203 = arith.constant 0 : i32
      %dma_wait3A_204 = tpu.memref_slice %arg13[%add3A_24, %dma_wait3A_203] : memref<10240x16xf32, #tpu.memory_space<vmem_shared>> -> memref<128x16xf32, #tpu.memory_space<vmem_shared>>
      %dma_wait3A_205 = arith.constant 0 : i32
      %dma_wait3A_206 = tpu.memref_slice %arg13[%add3A_24, %dma_wait3A_205] : memref<10240x16xf32, #tpu.memory_space<vmem_shared>> -> memref<128x16xf32, #tpu.memory_space<vmem_shared>>
      tpu.wait_dma2 semaphore(%run_scoped3A_198 : memref<!tpu.dma_semaphore, #tpu.memory_space<semaphore_mem>>) src(%arg11 : memref<128x16xf32, #tpu.memory_space<vmem>>) dst(%dma_wait3A_206 : memref<128x16xf32, #tpu.memory_space<vmem_shared>>)
      tpu.yield
    }) : () -> ()
    %add3A_25 = arith.constant 128 : i32
    %add3A_26 = arith.addi %mul3A_20, %add3A_25 : i32
    %run_scoped3A_27 = arith.constant 0 : i32
    %run_scoped3A_28 = arith.constant 0 : i32
    "tpu.region"() ({
      %run_scoped3A_198 = tpu.sem_alloc : memref<!tpu.dma_semaphore, #tpu.memory_space<semaphore_mem>>
      %dma_start3A_199 = arith.constant 0 : i32
      %dma_start3A_200 = arith.constant 0 : i32
      %dma_start3A_201 = tpu.memref_slice %arg9[%run_scoped3A_27, %run_scoped3A_28, %dma_start3A_199, %dma_start3A_200] : memref<2x3x128x64xf32, #tpu.memory_space<vmem>> -> memref<1x1x128x64xf32, #tpu.memory_space<vmem>>
      %dma_start3A_202 = tpu.memref_squeeze %dma_start3A_201 : memref<1x1x128x64xf32, #tpu.memory_space<vmem>> -> memref<128x64xf32, #tpu.memory_space<vmem>>
      %dma_start3A_203 = arith.constant 0 : i32
      %dma_start3A_204 = tpu.memref_slice %arg12[%add3A_26, %dma_start3A_203] : memref<10240x64xf32, #tpu.memory_space<vmem_shared>> -> memref<128x64xf32, #tpu.memory_space<vmem_shared>>
      %dma_start3A_205 = arith.constant 0 : i32
      %dma_start3A_206 = tpu.memref_slice %arg12[%add3A_26, %dma_start3A_205] : memref<10240x64xf32, #tpu.memory_space<vmem_shared>> -> memref<128x64xf32, #tpu.memory_space<vmem_shared>>
      %dma_start3A_207 = arith.constant 0 : i32
      %dma_start3A_208 = arith.constant 0 : i32
      %dma_start3A_209 = tpu.memref_slice %arg9[%run_scoped3A_27, %run_scoped3A_28, %dma_start3A_207, %dma_start3A_208] : memref<2x3x128x64xf32, #tpu.memory_space<vmem>> -> memref<1x1x128x64xf32, #tpu.memory_space<vmem>>
      %dma_start3A_210 = tpu.memref_squeeze %dma_start3A_209 : memref<1x1x128x64xf32, #tpu.memory_space<vmem>> -> memref<128x64xf32, #tpu.memory_space<vmem>>
      tpu.enqueue_dma source(%dma_start3A_210 : memref<128x64xf32, #tpu.memory_space<vmem>>) target(%dma_start3A_206 : memref<128x64xf32, #tpu.memory_space<vmem_shared>>) target_semaphore(%run_scoped3A_198 : memref<!tpu.dma_semaphore, #tpu.memory_space<semaphore_mem>>)
      %dma_wait3A_211 = arith.constant 0 : i32
      %dma_wait3A_212 = arith.constant 0 : i32
      %dma_wait3A_213 = tpu.memref_slice %arg9[%run_scoped3A_27, %run_scoped3A_28, %dma_wait3A_211, %dma_wait3A_212] : memref<2x3x128x64xf32, #tpu.memory_space<vmem>> -> memref<1x1x128x64xf32, #tpu.memory_space<vmem>>
      %dma_wait3A_214 = tpu.memref_squeeze %dma_wait3A_213 : memref<1x1x128x64xf32, #tpu.memory_space<vmem>> -> memref<128x64xf32, #tpu.memory_space<vmem>>
      %dma_wait3A_215 = arith.constant 0 : i32
      %dma_wait3A_216 = tpu.memref_slice %arg12[%add3A_26, %dma_wait3A_215] : memref<10240x64xf32, #tpu.memory_space<vmem_shared>> -> memref<128x64xf32, #tpu.memory_space<vmem_shared>>
      %dma_wait3A_217 = arith.constant 0 : i32
      %dma_wait3A_218 = tpu.memref_slice %arg12[%add3A_26, %dma_wait3A_217] : memref<10240x64xf32, #tpu.memory_space<vmem_shared>> -> memref<128x64xf32, #tpu.memory_space<vmem_shared>>
      %dma_wait3A_219 = arith.constant 0 : i32
      %dma_wait3A_220 = arith.constant 0 : i32
      %dma_wait3A_221 = tpu.memref_slice %arg9[%run_scoped3A_27, %run_scoped3A_28, %dma_wait3A_219, %dma_wait3A_220] : memref<2x3x128x64xf32, #tpu.memory_space<vmem>> -> memref<1x1x128x64xf32, #tpu.memory_space<vmem>>
      %dma_wait3A_222 = tpu.memref_squeeze %dma_wait3A_221 : memref<1x1x128x64xf32, #tpu.memory_space<vmem>> -> memref<128x64xf32, #tpu.memory_space<vmem>>
      tpu.wait_dma2 semaphore(%run_scoped3A_198 : memref<!tpu.dma_semaphore, #tpu.memory_space<semaphore_mem>>) src(%dma_wait3A_222 : memref<128x64xf32, #tpu.memory_space<vmem>>) dst(%dma_wait3A_218 : memref<128x64xf32, #tpu.memory_space<vmem_shared>>)
      tpu.yield
    }) : () -> ()
    %add3A_29 = arith.constant 128 : i32
    %add3A_30 = arith.addi %mul3A_20, %add3A_29 : i32
    "tpu.region"() ({
      %run_scoped3A_198 = tpu.sem_alloc : memref<!tpu.dma_semaphore, #tpu.memory_space<semaphore_mem>>
      %dma_start3A_199 = arith.constant 0 : i32
      %dma_start3A_200 = tpu.memref_slice %arg13[%add3A_30, %dma_start3A_199] : memref<10240x16xf32, #tpu.memory_space<vmem_shared>> -> memref<128x16xf32, #tpu.memory_space<vmem_shared>>
      %dma_start3A_201 = arith.constant 0 : i32
      %dma_start3A_202 = tpu.memref_slice %arg13[%add3A_30, %dma_start3A_201] : memref<10240x16xf32, #tpu.memory_space<vmem_shared>> -> memref<128x16xf32, #tpu.memory_space<vmem_shared>>
      tpu.enqueue_dma source(%arg11 : memref<128x16xf32, #tpu.memory_space<vmem>>) target(%dma_start3A_202 : memref<128x16xf32, #tpu.memory_space<vmem_shared>>) target_semaphore(%run_scoped3A_198 : memref<!tpu.dma_semaphore, #tpu.memory_space<semaphore_mem>>)
      %dma_wait3A_203 = arith.constant 0 : i32
      %dma_wait3A_204 = tpu.memref_slice %arg13[%add3A_30, %dma_wait3A_203] : memref<10240x16xf32, #tpu.memory_space<vmem_shared>> -> memref<128x16xf32, #tpu.memory_space<vmem_shared>>
      %dma_wait3A_205 = arith.constant 0 : i32
      %dma_wait3A_206 = tpu.memref_slice %arg13[%add3A_30, %dma_wait3A_205] : memref<10240x16xf32, #tpu.memory_space<vmem_shared>> -> memref<128x16xf32, #tpu.memory_space<vmem_shared>>
      tpu.wait_dma2 semaphore(%run_scoped3A_198 : memref<!tpu.dma_semaphore, #tpu.memory_space<semaphore_mem>>) src(%arg11 : memref<128x16xf32, #tpu.memory_space<vmem>>) dst(%dma_wait3A_206 : memref<128x16xf32, #tpu.memory_space<vmem_shared>>)
      tpu.yield
    }) : () -> ()
    %add3A_31 = arith.constant 256 : i32
    %add3A_32 = arith.addi %mul3A_20, %add3A_31 : i32
    %run_scoped3A_33 = arith.constant 0 : i32
    %run_scoped3A_34 = arith.constant 0 : i32
    "tpu.region"() ({
      %run_scoped3A_198 = tpu.sem_alloc : memref<!tpu.dma_semaphore, #tpu.memory_space<semaphore_mem>>
      %dma_start3A_199 = arith.constant 0 : i32
      %dma_start3A_200 = arith.constant 0 : i32
      %dma_start3A_201 = tpu.memref_slice %arg9[%run_scoped3A_33, %run_scoped3A_34, %dma_start3A_199, %dma_start3A_200] : memref<2x3x128x64xf32, #tpu.memory_space<vmem>> -> memref<1x1x128x64xf32, #tpu.memory_space<vmem>>
      %dma_start3A_202 = tpu.memref_squeeze %dma_start3A_201 : memref<1x1x128x64xf32, #tpu.memory_space<vmem>> -> memref<128x64xf32, #tpu.memory_space<vmem>>
      %dma_start3A_203 = arith.constant 0 : i32
      %dma_start3A_204 = tpu.memref_slice %arg12[%add3A_32, %dma_start3A_203] : memref<10240x64xf32, #tpu.memory_space<vmem_shared>> -> memref<128x64xf32, #tpu.memory_space<vmem_shared>>
      %dma_start3A_205 = arith.constant 0 : i32
      %dma_start3A_206 = tpu.memref_slice %arg12[%add3A_32, %dma_start3A_205] : memref<10240x64xf32, #tpu.memory_space<vmem_shared>> -> memref<128x64xf32, #tpu.memory_space<vmem_shared>>
      %dma_start3A_207 = arith.constant 0 : i32
      %dma_start3A_208 = arith.constant 0 : i32
      %dma_start3A_209 = tpu.memref_slice %arg9[%run_scoped3A_33, %run_scoped3A_34, %dma_start3A_207, %dma_start3A_208] : memref<2x3x128x64xf32, #tpu.memory_space<vmem>> -> memref<1x1x128x64xf32, #tpu.memory_space<vmem>>
      %dma_start3A_210 = tpu.memref_squeeze %dma_start3A_209 : memref<1x1x128x64xf32, #tpu.memory_space<vmem>> -> memref<128x64xf32, #tpu.memory_space<vmem>>
      tpu.enqueue_dma source(%dma_start3A_210 : memref<128x64xf32, #tpu.memory_space<vmem>>) target(%dma_start3A_206 : memref<128x64xf32, #tpu.memory_space<vmem_shared>>) target_semaphore(%run_scoped3A_198 : memref<!tpu.dma_semaphore, #tpu.memory_space<semaphore_mem>>)
      %dma_wait3A_211 = arith.constant 0 : i32
      %dma_wait3A_212 = arith.constant 0 : i32
      %dma_wait3A_213 = tpu.memref_slice %arg9[%run_scoped3A_33, %run_scoped3A_34, %dma_wait3A_211, %dma_wait3A_212] : memref<2x3x128x64xf32, #tpu.memory_space<vmem>> -> memref<1x1x128x64xf32, #tpu.memory_space<vmem>>
      %dma_wait3A_214 = tpu.memref_squeeze %dma_wait3A_213 : memref<1x1x128x64xf32, #tpu.memory_space<vmem>> -> memref<128x64xf32, #tpu.memory_space<vmem>>
      %dma_wait3A_215 = arith.constant 0 : i32
      %dma_wait3A_216 = tpu.memref_slice %arg12[%add3A_32, %dma_wait3A_215] : memref<10240x64xf32, #tpu.memory_space<vmem_shared>> -> memref<128x64xf32, #tpu.memory_space<vmem_shared>>
      %dma_wait3A_217 = arith.constant 0 : i32
      %dma_wait3A_218 = tpu.memref_slice %arg12[%add3A_32, %dma_wait3A_217] : memref<10240x64xf32, #tpu.memory_space<vmem_shared>> -> memref<128x64xf32, #tpu.memory_space<vmem_shared>>
      %dma_wait3A_219 = arith.constant 0 : i32
      %dma_wait3A_220 = arith.constant 0 : i32
      %dma_wait3A_221 = tpu.memref_slice %arg9[%run_scoped3A_33, %run_scoped3A_34, %dma_wait3A_219, %dma_wait3A_220] : memref<2x3x128x64xf32, #tpu.memory_space<vmem>> -> memref<1x1x128x64xf32, #tpu.memory_space<vmem>>
      %dma_wait3A_222 = tpu.memref_squeeze %dma_wait3A_221 : memref<1x1x128x64xf32, #tpu.memory_space<vmem>> -> memref<128x64xf32, #tpu.memory_space<vmem>>
      tpu.wait_dma2 semaphore(%run_scoped3A_198 : memref<!tpu.dma_semaphore, #tpu.memory_space<semaphore_mem>>) src(%dma_wait3A_222 : memref<128x64xf32, #tpu.memory_space<vmem>>) dst(%dma_wait3A_218 : memref<128x64xf32, #tpu.memory_space<vmem_shared>>)
      tpu.yield
    }) : () -> ()
    %add3A_35 = arith.constant 256 : i32
    %add3A_36 = arith.addi %mul3A_20, %add3A_35 : i32
    "tpu.region"() ({
      %run_scoped3A_198 = tpu.sem_alloc : memref<!tpu.dma_semaphore, #tpu.memory_space<semaphore_mem>>
      %dma_start3A_199 = arith.constant 0 : i32
      %dma_start3A_200 = tpu.memref_slice %arg13[%add3A_36, %dma_start3A_199] : memref<10240x16xf32, #tpu.memory_space<vmem_shared>> -> memref<128x16xf32, #tpu.memory_space<vmem_shared>>
      %dma_start3A_201 = arith.constant 0 : i32
      %dma_start3A_202 = tpu.memref_slice %arg13[%add3A_36, %dma_start3A_201] : memref<10240x16xf32, #tpu.memory_space<vmem_shared>> -> memref<128x16xf32, #tpu.memory_space<vmem_shared>>
      tpu.enqueue_dma source(%arg11 : memref<128x16xf32, #tpu.memory_space<vmem>>) target(%dma_start3A_202 : memref<128x16xf32, #tpu.memory_space<vmem_shared>>) target_semaphore(%run_scoped3A_198 : memref<!tpu.dma_semaphore, #tpu.memory_space<semaphore_mem>>)
      %dma_wait3A_203 = arith.constant 0 : i32
      %dma_wait3A_204 = tpu.memref_slice %arg13[%add3A_36, %dma_wait3A_203] : memref<10240x16xf32, #tpu.memory_space<vmem_shared>> -> memref<128x16xf32, #tpu.memory_space<vmem_shared>>
      %dma_wait3A_205 = arith.constant 0 : i32
      %dma_wait3A_206 = tpu.memref_slice %arg13[%add3A_36, %dma_wait3A_205] : memref<10240x16xf32, #tpu.memory_space<vmem_shared>> -> memref<128x16xf32, #tpu.memory_space<vmem_shared>>
      tpu.wait_dma2 semaphore(%run_scoped3A_198 : memref<!tpu.dma_semaphore, #tpu.memory_space<semaphore_mem>>) src(%arg11 : memref<128x16xf32, #tpu.memory_space<vmem>>) dst(%dma_wait3A_206 : memref<128x16xf32, #tpu.memory_space<vmem_shared>>)
      tpu.yield
    }) : () -> ()
    %add3A_37 = arith.constant 384 : i32
    %add3A_38 = arith.addi %mul3A_20, %add3A_37 : i32
    %run_scoped3A_39 = arith.constant 0 : i32
    %run_scoped3A_40 = arith.constant 0 : i32
    "tpu.region"() ({
      %run_scoped3A_198 = tpu.sem_alloc : memref<!tpu.dma_semaphore, #tpu.memory_space<semaphore_mem>>
      %dma_start3A_199 = arith.constant 0 : i32
      %dma_start3A_200 = arith.constant 0 : i32
      %dma_start3A_201 = tpu.memref_slice %arg9[%run_scoped3A_39, %run_scoped3A_40, %dma_start3A_199, %dma_start3A_200] : memref<2x3x128x64xf32, #tpu.memory_space<vmem>> -> memref<1x1x128x64xf32, #tpu.memory_space<vmem>>
      %dma_start3A_202 = tpu.memref_squeeze %dma_start3A_201 : memref<1x1x128x64xf32, #tpu.memory_space<vmem>> -> memref<128x64xf32, #tpu.memory_space<vmem>>
      %dma_start3A_203 = arith.constant 0 : i32
      %dma_start3A_204 = tpu.memref_slice %arg12[%add3A_38, %dma_start3A_203] : memref<10240x64xf32, #tpu.memory_space<vmem_shared>> -> memref<128x64xf32, #tpu.memory_space<vmem_shared>>
      %dma_start3A_205 = arith.constant 0 : i32
      %dma_start3A_206 = tpu.memref_slice %arg12[%add3A_38, %dma_start3A_205] : memref<10240x64xf32, #tpu.memory_space<vmem_shared>> -> memref<128x64xf32, #tpu.memory_space<vmem_shared>>
      %dma_start3A_207 = arith.constant 0 : i32
      %dma_start3A_208 = arith.constant 0 : i32
      %dma_start3A_209 = tpu.memref_slice %arg9[%run_scoped3A_39, %run_scoped3A_40, %dma_start3A_207, %dma_start3A_208] : memref<2x3x128x64xf32, #tpu.memory_space<vmem>> -> memref<1x1x128x64xf32, #tpu.memory_space<vmem>>
      %dma_start3A_210 = tpu.memref_squeeze %dma_start3A_209 : memref<1x1x128x64xf32, #tpu.memory_space<vmem>> -> memref<128x64xf32, #tpu.memory_space<vmem>>
      tpu.enqueue_dma source(%dma_start3A_210 : memref<128x64xf32, #tpu.memory_space<vmem>>) target(%dma_start3A_206 : memref<128x64xf32, #tpu.memory_space<vmem_shared>>) target_semaphore(%run_scoped3A_198 : memref<!tpu.dma_semaphore, #tpu.memory_space<semaphore_mem>>)
      %dma_wait3A_211 = arith.constant 0 : i32
      %dma_wait3A_212 = arith.constant 0 : i32
      %dma_wait3A_213 = tpu.memref_slice %arg9[%run_scoped3A_39, %run_scoped3A_40, %dma_wait3A_211, %dma_wait3A_212] : memref<2x3x128x64xf32, #tpu.memory_space<vmem>> -> memref<1x1x128x64xf32, #tpu.memory_space<vmem>>
      %dma_wait3A_214 = tpu.memref_squeeze %dma_wait3A_213 : memref<1x1x128x64xf32, #tpu.memory_space<vmem>> -> memref<128x64xf32, #tpu.memory_space<vmem>>
      %dma_wait3A_215 = arith.constant 0 : i32
      %dma_wait3A_216 = tpu.memref_slice %arg12[%add3A_38, %dma_wait3A_215] : memref<10240x64xf32, #tpu.memory_space<vmem_shared>> -> memref<128x64xf32, #tpu.memory_space<vmem_shared>>
      %dma_wait3A_217 = arith.constant 0 : i32
      %dma_wait3A_218 = tpu.memref_slice %arg12[%add3A_38, %dma_wait3A_217] : memref<10240x64xf32, #tpu.memory_space<vmem_shared>> -> memref<128x64xf32, #tpu.memory_space<vmem_shared>>
      %dma_wait3A_219 = arith.constant 0 : i32
      %dma_wait3A_220 = arith.constant 0 : i32
      %dma_wait3A_221 = tpu.memref_slice %arg9[%run_scoped3A_39, %run_scoped3A_40, %dma_wait3A_219, %dma_wait3A_220] : memref<2x3x128x64xf32, #tpu.memory_space<vmem>> -> memref<1x1x128x64xf32, #tpu.memory_space<vmem>>
      %dma_wait3A_222 = tpu.memref_squeeze %dma_wait3A_221 : memref<1x1x128x64xf32, #tpu.memory_space<vmem>> -> memref<128x64xf32, #tpu.memory_space<vmem>>
      tpu.wait_dma2 semaphore(%run_scoped3A_198 : memref<!tpu.dma_semaphore, #tpu.memory_space<semaphore_mem>>) src(%dma_wait3A_222 : memref<128x64xf32, #tpu.memory_space<vmem>>) dst(%dma_wait3A_218 : memref<128x64xf32, #tpu.memory_space<vmem_shared>>)
      tpu.yield
    }) : () -> ()
    %add3A_41 = arith.constant 384 : i32
    %add3A_42 = arith.addi %mul3A_20, %add3A_41 : i32
    "tpu.region"() ({
      %run_scoped3A_198 = tpu.sem_alloc : memref<!tpu.dma_semaphore, #tpu.memory_space<semaphore_mem>>
      %dma_start3A_199 = arith.constant 0 : i32
      %dma_start3A_200 = tpu.memref_slice %arg13[%add3A_42, %dma_start3A_199] : memref<10240x16xf32, #tpu.memory_space<vmem_shared>> -> memref<128x16xf32, #tpu.memory_space<vmem_shared>>
      %dma_start3A_201 = arith.constant 0 : i32
      %dma_start3A_202 = tpu.memref_slice %arg13[%add3A_42, %dma_start3A_201] : memref<10240x16xf32, #tpu.memory_space<vmem_shared>> -> memref<128x16xf32, #tpu.memory_space<vmem_shared>>
      tpu.enqueue_dma source(%arg11 : memref<128x16xf32, #tpu.memory_space<vmem>>) target(%dma_start3A_202 : memref<128x16xf32, #tpu.memory_space<vmem_shared>>) target_semaphore(%run_scoped3A_198 : memref<!tpu.dma_semaphore, #tpu.memory_space<semaphore_mem>>)
      %dma_wait3A_203 = arith.constant 0 : i32
      %dma_wait3A_204 = tpu.memref_slice %arg13[%add3A_42, %dma_wait3A_203] : memref<10240x16xf32, #tpu.memory_space<vmem_shared>> -> memref<128x16xf32, #tpu.memory_space<vmem_shared>>
      %dma_wait3A_205 = arith.constant 0 : i32
      %dma_wait3A_206 = tpu.memref_slice %arg13[%add3A_42, %dma_wait3A_205] : memref<10240x16xf32, #tpu.memory_space<vmem_shared>> -> memref<128x16xf32, #tpu.memory_space<vmem_shared>>
      tpu.wait_dma2 semaphore(%run_scoped3A_198 : memref<!tpu.dma_semaphore, #tpu.memory_space<semaphore_mem>>) src(%arg11 : memref<128x16xf32, #tpu.memory_space<vmem>>) dst(%dma_wait3A_206 : memref<128x16xf32, #tpu.memory_space<vmem_shared>>)
      tpu.yield
    }) : () -> ()
    %add3A_43 = arith.constant 512 : i32
    %add3A_44 = arith.addi %mul3A_20, %add3A_43 : i32
    %run_scoped3A_45 = arith.constant 0 : i32
    %run_scoped3A_46 = arith.constant 0 : i32
    "tpu.region"() ({
      %run_scoped3A_198 = tpu.sem_alloc : memref<!tpu.dma_semaphore, #tpu.memory_space<semaphore_mem>>
      %dma_start3A_199 = arith.constant 0 : i32
      %dma_start3A_200 = arith.constant 0 : i32
      %dma_start3A_201 = tpu.memref_slice %arg9[%run_scoped3A_45, %run_scoped3A_46, %dma_start3A_199, %dma_start3A_200] : memref<2x3x128x64xf32, #tpu.memory_space<vmem>> -> memref<1x1x128x64xf32, #tpu.memory_space<vmem>>
      %dma_start3A_202 = tpu.memref_squeeze %dma_start3A_201 : memref<1x1x128x64xf32, #tpu.memory_space<vmem>> -> memref<128x64xf32, #tpu.memory_space<vmem>>
      %dma_start3A_203 = arith.constant 0 : i32
      %dma_start3A_204 = tpu.memref_slice %arg12[%add3A_44, %dma_start3A_203] : memref<10240x64xf32, #tpu.memory_space<vmem_shared>> -> memref<128x64xf32, #tpu.memory_space<vmem_shared>>
      %dma_start3A_205 = arith.constant 0 : i32
      %dma_start3A_206 = tpu.memref_slice %arg12[%add3A_44, %dma_start3A_205] : memref<10240x64xf32, #tpu.memory_space<vmem_shared>> -> memref<128x64xf32, #tpu.memory_space<vmem_shared>>
      %dma_start3A_207 = arith.constant 0 : i32
      %dma_start3A_208 = arith.constant 0 : i32
      %dma_start3A_209 = tpu.memref_slice %arg9[%run_scoped3A_45, %run_scoped3A_46, %dma_start3A_207, %dma_start3A_208] : memref<2x3x128x64xf32, #tpu.memory_space<vmem>> -> memref<1x1x128x64xf32, #tpu.memory_space<vmem>>
      %dma_start3A_210 = tpu.memref_squeeze %dma_start3A_209 : memref<1x1x128x64xf32, #tpu.memory_space<vmem>> -> memref<128x64xf32, #tpu.memory_space<vmem>>
      tpu.enqueue_dma source(%dma_start3A_210 : memref<128x64xf32, #tpu.memory_space<vmem>>) target(%dma_start3A_206 : memref<128x64xf32, #tpu.memory_space<vmem_shared>>) target_semaphore(%run_scoped3A_198 : memref<!tpu.dma_semaphore, #tpu.memory_space<semaphore_mem>>)
      %dma_wait3A_211 = arith.constant 0 : i32
      %dma_wait3A_212 = arith.constant 0 : i32
      %dma_wait3A_213 = tpu.memref_slice %arg9[%run_scoped3A_45, %run_scoped3A_46, %dma_wait3A_211, %dma_wait3A_212] : memref<2x3x128x64xf32, #tpu.memory_space<vmem>> -> memref<1x1x128x64xf32, #tpu.memory_space<vmem>>
      %dma_wait3A_214 = tpu.memref_squeeze %dma_wait3A_213 : memref<1x1x128x64xf32, #tpu.memory_space<vmem>> -> memref<128x64xf32, #tpu.memory_space<vmem>>
      %dma_wait3A_215 = arith.constant 0 : i32
      %dma_wait3A_216 = tpu.memref_slice %arg12[%add3A_44, %dma_wait3A_215] : memref<10240x64xf32, #tpu.memory_space<vmem_shared>> -> memref<128x64xf32, #tpu.memory_space<vmem_shared>>
      %dma_wait3A_217 = arith.constant 0 : i32
      %dma_wait3A_218 = tpu.memref_slice %arg12[%add3A_44, %dma_wait3A_217] : memref<10240x64xf32, #tpu.memory_space<vmem_shared>> -> memref<128x64xf32, #tpu.memory_space<vmem_shared>>
      %dma_wait3A_219 = arith.constant 0 : i32
      %dma_wait3A_220 = arith.constant 0 : i32
      %dma_wait3A_221 = tpu.memref_slice %arg9[%run_scoped3A_45, %run_scoped3A_46, %dma_wait3A_219, %dma_wait3A_220] : memref<2x3x128x64xf32, #tpu.memory_space<vmem>> -> memref<1x1x128x64xf32, #tpu.memory_space<vmem>>
      %dma_wait3A_222 = tpu.memref_squeeze %dma_wait3A_221 : memref<1x1x128x64xf32, #tpu.memory_space<vmem>> -> memref<128x64xf32, #tpu.memory_space<vmem>>
      tpu.wait_dma2 semaphore(%run_scoped3A_198 : memref<!tpu.dma_semaphore, #tpu.memory_space<semaphore_mem>>) src(%dma_wait3A_222 : memref<128x64xf32, #tpu.memory_space<vmem>>) dst(%dma_wait3A_218 : memref<128x64xf32, #tpu.memory_space<vmem_shared>>)
      tpu.yield
    }) : () -> ()
    %add3A_47 = arith.constant 512 : i32
    %add3A_48 = arith.addi %mul3A_20, %add3A_47 : i32
    "tpu.region"() ({
      %run_scoped3A_198 = tpu.sem_alloc : memref<!tpu.dma_semaphore, #tpu.memory_space<semaphore_mem>>
      %dma_start3A_199 = arith.constant 0 : i32
      %dma_start3A_200 = tpu.memref_slice %arg13[%add3A_48, %dma_start3A_199] : memref<10240x16xf32, #tpu.memory_space<vmem_shared>> -> memref<128x16xf32, #tpu.memory_space<vmem_shared>>
      %dma_start3A_201 = arith.constant 0 : i32
      %dma_start3A_202 = tpu.memref_slice %arg13[%add3A_48, %dma_start3A_201] : memref<10240x16xf32, #tpu.memory_space<vmem_shared>> -> memref<128x16xf32, #tpu.memory_space<vmem_shared>>
      tpu.enqueue_dma source(%arg11 : memref<128x16xf32, #tpu.memory_space<vmem>>) target(%dma_start3A_202 : memref<128x16xf32, #tpu.memory_space<vmem_shared>>) target_semaphore(%run_scoped3A_198 : memref<!tpu.dma_semaphore, #tpu.memory_space<semaphore_mem>>)
      %dma_wait3A_203 = arith.constant 0 : i32
      %dma_wait3A_204 = tpu.memref_slice %arg13[%add3A_48, %dma_wait3A_203] : memref<10240x16xf32, #tpu.memory_space<vmem_shared>> -> memref<128x16xf32, #tpu.memory_space<vmem_shared>>
      %dma_wait3A_205 = arith.constant 0 : i32
      %dma_wait3A_206 = tpu.memref_slice %arg13[%add3A_48, %dma_wait3A_205] : memref<10240x16xf32, #tpu.memory_space<vmem_shared>> -> memref<128x16xf32, #tpu.memory_space<vmem_shared>>
      tpu.wait_dma2 semaphore(%run_scoped3A_198 : memref<!tpu.dma_semaphore, #tpu.memory_space<semaphore_mem>>) src(%arg11 : memref<128x16xf32, #tpu.memory_space<vmem>>) dst(%dma_wait3A_206 : memref<128x16xf32, #tpu.memory_space<vmem_shared>>)
      tpu.yield
    }) : () -> ()
    %barrier3A = arith.constant 0 : index
    tpu.barrier barrier_id(%barrier3A)
    %mul3A_49 = arith.constant 156 : i32
    %mul3A_50 = arith.muli %arg1, %mul3A_49 : i32
    %min3A = arith.constant 4 : i32
    %min3A_51 = arith.minsi %arg1, %min3A : i32
    %add3A_52 = arith.addi %mul3A_50, %min3A_51 : i32
    %add3A_53 = arith.constant 0 : i32
    %add3A_54 = arith.addi %add3A_52, %add3A_53 : i32
    %dma_start3A = arith.constant 0 : i32
    %dma_start3A_55 = arith.constant 0 : i32
    %dma_start3A_56 = arith.constant 0 : i32
    %dma_start3A_57 = tpu.memref_slice %arg7[%dma_start3A, %dma_start3A_55, %dma_start3A_56] : memref<2x3x128xi32, #tpu.memory_space<vmem>> -> memref<1x3x128xi32, #tpu.memory_space<vmem>>
    %dma_start3A_58 = tpu.memref_squeeze %dma_start3A_57 : memref<1x3x128xi32, #tpu.memory_space<vmem>> -> memref<3x128xi32, #tpu.memory_space<vmem>>
    %dma_start3A_59 = arith.constant 0 : i32
    %dma_start3A_60 = tpu.memref_slice %arg3[%add3A_54, %dma_start3A_59] : memref<2500x128xi32, #tpu.memory_space<hbm>> -> memref<3x128xi32, #tpu.memory_space<hbm>>
    %dma_start3A_61 = arith.constant 0 : i32
    %dma_start3A_62 = arith.constant 0 : i32
    %dma_start3A_63 = tpu.memref_slice %arg7[%dma_start3A, %dma_start3A_61, %dma_start3A_62] : memref<2x3x128xi32, #tpu.memory_space<vmem>> -> memref<1x3x128xi32, #tpu.memory_space<vmem>>
    %dma_start3A_64 = tpu.memref_squeeze %dma_start3A_63 : memref<1x3x128xi32, #tpu.memory_space<vmem>> -> memref<3x128xi32, #tpu.memory_space<vmem>>
    %dma_start3A_65 = arith.constant 0 : i32
    %dma_start3A_66 = tpu.memref_slice %arg3[%add3A_54, %dma_start3A_65] : memref<2500x128xi32, #tpu.memory_space<hbm>> -> memref<3x128xi32, #tpu.memory_space<hbm>>
    tpu.enqueue_dma source(%dma_start3A_66 : memref<3x128xi32, #tpu.memory_space<hbm>>) target(%dma_start3A_64 : memref<3x128xi32, #tpu.memory_space<vmem>>) target_semaphore(%arg18 : memref<!tpu.dma_semaphore, #tpu.memory_space<semaphore_mem>>)
    %dma_start3A_67 = arith.constant 0 : i32
    %dma_start3A_68 = arith.constant 0 : i32
    %dma_start3A_69 = arith.constant 0 : i32
    %dma_start3A_70 = tpu.memref_slice %arg8[%dma_start3A_67, %dma_start3A_68, %dma_start3A_69] : memref<2x3x128xi32, #tpu.memory_space<vmem>> -> memref<1x3x128xi32, #tpu.memory_space<vmem>>
    %dma_start3A_71 = tpu.memref_squeeze %dma_start3A_70 : memref<1x3x128xi32, #tpu.memory_space<vmem>> -> memref<3x128xi32, #tpu.memory_space<vmem>>
    %dma_start3A_72 = arith.constant 0 : i32
    %dma_start3A_73 = tpu.memref_slice %arg4[%add3A_54, %dma_start3A_72] : memref<2500x128xi32, #tpu.memory_space<hbm>> -> memref<3x128xi32, #tpu.memory_space<hbm>>
    %dma_start3A_74 = arith.constant 0 : i32
    %dma_start3A_75 = arith.constant 0 : i32
    %dma_start3A_76 = tpu.memref_slice %arg8[%dma_start3A_67, %dma_start3A_74, %dma_start3A_75] : memref<2x3x128xi32, #tpu.memory_space<vmem>> -> memref<1x3x128xi32, #tpu.memory_space<vmem>>
    %dma_start3A_77 = tpu.memref_squeeze %dma_start3A_76 : memref<1x3x128xi32, #tpu.memory_space<vmem>> -> memref<3x128xi32, #tpu.memory_space<vmem>>
    %dma_start3A_78 = arith.constant 0 : i32
    %dma_start3A_79 = tpu.memref_slice %arg4[%add3A_54, %dma_start3A_78] : memref<2500x128xi32, #tpu.memory_space<hbm>> -> memref<3x128xi32, #tpu.memory_space<hbm>>
    tpu.enqueue_dma source(%dma_start3A_79 : memref<3x128xi32, #tpu.memory_space<hbm>>) target(%dma_start3A_77 : memref<3x128xi32, #tpu.memory_space<vmem>>) target_semaphore(%arg18 : memref<!tpu.dma_semaphore, #tpu.memory_space<semaphore_mem>>)
    %add3A_80 = arith.constant 3 : i32
    %add3A_81 = arith.addi %add3A_52, %add3A_80 : i32
    %dma_start3A_82 = arith.constant 1 : i32
    %dma_start3A_83 = arith.constant 0 : i32
    %dma_start3A_84 = arith.constant 0 : i32
    %dma_start3A_85 = tpu.memref_slice %arg7[%dma_start3A_82, %dma_start3A_83, %dma_start3A_84] : memref<2x3x128xi32, #tpu.memory_space<vmem>> -> memref<1x3x128xi32, #tpu.memory_space<vmem>>
    %dma_start3A_86 = tpu.memref_squeeze %dma_start3A_85 : memref<1x3x128xi32, #tpu.memory_space<vmem>> -> memref<3x128xi32, #tpu.memory_space<vmem>>
    %dma_start3A_87 = arith.constant 0 : i32
    %dma_start3A_88 = tpu.memref_slice %arg3[%add3A_81, %dma_start3A_87] : memref<2500x128xi32, #tpu.memory_space<hbm>> -> memref<3x128xi32, #tpu.memory_space<hbm>>
    %dma_start3A_89 = arith.constant 0 : i32
    %dma_start3A_90 = arith.constant 0 : i32
    %dma_start3A_91 = tpu.memref_slice %arg7[%dma_start3A_82, %dma_start3A_89, %dma_start3A_90] : memref<2x3x128xi32, #tpu.memory_space<vmem>> -> memref<1x3x128xi32, #tpu.memory_space<vmem>>
    %dma_start3A_92 = tpu.memref_squeeze %dma_start3A_91 : memref<1x3x128xi32, #tpu.memory_space<vmem>> -> memref<3x128xi32, #tpu.memory_space<vmem>>
    %dma_start3A_93 = arith.constant 0 : i32
    %dma_start3A_94 = tpu.memref_slice %arg3[%add3A_81, %dma_start3A_93] : memref<2500x128xi32, #tpu.memory_space<hbm>> -> memref<3x128xi32, #tpu.memory_space<hbm>>
    tpu.enqueue_dma source(%dma_start3A_94 : memref<3x128xi32, #tpu.memory_space<hbm>>) target(%dma_start3A_92 : memref<3x128xi32, #tpu.memory_space<vmem>>) target_semaphore(%arg19 : memref<!tpu.dma_semaphore, #tpu.memory_space<semaphore_mem>>)
    %dma_start3A_95 = arith.constant 1 : i32
    %dma_start3A_96 = arith.constant 0 : i32
    %dma_start3A_97 = arith.constant 0 : i32
    %dma_start3A_98 = tpu.memref_slice %arg8[%dma_start3A_95, %dma_start3A_96, %dma_start3A_97] : memref<2x3x128xi32, #tpu.memory_space<vmem>> -> memref<1x3x128xi32, #tpu.memory_space<vmem>>
    %dma_start3A_99 = tpu.memref_squeeze %dma_start3A_98 : memref<1x3x128xi32, #tpu.memory_space<vmem>> -> memref<3x128xi32, #tpu.memory_space<vmem>>
    %dma_start3A_100 = arith.constant 0 : i32
    %dma_start3A_101 = tpu.memref_slice %arg4[%add3A_81, %dma_start3A_100] : memref<2500x128xi32, #tpu.memory_space<hbm>> -> memref<3x128xi32, #tpu.memory_space<hbm>>
    %dma_start3A_102 = arith.constant 0 : i32
    %dma_start3A_103 = arith.constant 0 : i32
    %dma_start3A_104 = tpu.memref_slice %arg8[%dma_start3A_95, %dma_start3A_102, %dma_start3A_103] : memref<2x3x128xi32, #tpu.memory_space<vmem>> -> memref<1x3x128xi32, #tpu.memory_space<vmem>>
    %dma_start3A_105 = tpu.memref_squeeze %dma_start3A_104 : memref<1x3x128xi32, #tpu.memory_space<vmem>> -> memref<3x128xi32, #tpu.memory_space<vmem>>
    %dma_start3A_106 = arith.constant 0 : i32
    %dma_start3A_107 = tpu.memref_slice %arg4[%add3A_81, %dma_start3A_106] : memref<2500x128xi32, #tpu.memory_space<hbm>> -> memref<3x128xi32, #tpu.memory_space<hbm>>
    tpu.enqueue_dma source(%dma_start3A_107 : memref<3x128xi32, #tpu.memory_space<hbm>>) target(%dma_start3A_105 : memref<3x128xi32, #tpu.memory_space<vmem>>) target_semaphore(%arg19 : memref<!tpu.dma_semaphore, #tpu.memory_space<semaphore_mem>>)
    %add3A_108 = arith.constant 0 : i32
    %add3A_109 = arith.addi %add3A_52, %add3A_108 : i32
    %dma_wait3A = arith.constant 0 : i32
    %dma_wait3A_110 = arith.constant 0 : i32
    %dma_wait3A_111 = arith.constant 0 : i32
    %dma_wait3A_112 = tpu.memref_slice %arg7[%dma_wait3A, %dma_wait3A_110, %dma_wait3A_111] : memref<2x3x128xi32, #tpu.memory_space<vmem>> -> memref<1x3x128xi32, #tpu.memory_space<vmem>>
    %dma_wait3A_113 = tpu.memref_squeeze %dma_wait3A_112 : memref<1x3x128xi32, #tpu.memory_space<vmem>> -> memref<3x128xi32, #tpu.memory_space<vmem>>
    %dma_wait3A_114 = arith.constant 0 : i32
    %dma_wait3A_115 = tpu.memref_slice %arg3[%add3A_109, %dma_wait3A_114] : memref<2500x128xi32, #tpu.memory_space<hbm>> -> memref<3x128xi32, #tpu.memory_space<hbm>>
    %dma_wait3A_116 = arith.constant 0 : i32
    %dma_wait3A_117 = arith.constant 0 : i32
    %dma_wait3A_118 = tpu.memref_slice %arg7[%dma_wait3A, %dma_wait3A_116, %dma_wait3A_117] : memref<2x3x128xi32, #tpu.memory_space<vmem>> -> memref<1x3x128xi32, #tpu.memory_space<vmem>>
    %dma_wait3A_119 = tpu.memref_squeeze %dma_wait3A_118 : memref<1x3x128xi32, #tpu.memory_space<vmem>> -> memref<3x128xi32, #tpu.memory_space<vmem>>
    %dma_wait3A_120 = arith.constant 0 : i32
    %dma_wait3A_121 = tpu.memref_slice %arg3[%add3A_109, %dma_wait3A_120] : memref<2500x128xi32, #tpu.memory_space<hbm>> -> memref<3x128xi32, #tpu.memory_space<hbm>>
    tpu.wait_dma2 semaphore(%arg18 : memref<!tpu.dma_semaphore, #tpu.memory_space<semaphore_mem>>) src(%dma_wait3A_121 : memref<3x128xi32, #tpu.memory_space<hbm>>) dst(%dma_wait3A_119 : memref<3x128xi32, #tpu.memory_space<vmem>>)
    %dma_wait3A_122 = arith.constant 0 : i32
    %dma_wait3A_123 = arith.constant 0 : i32
    %dma_wait3A_124 = arith.constant 0 : i32
    %dma_wait3A_125 = tpu.memref_slice %arg8[%dma_wait3A_122, %dma_wait3A_123, %dma_wait3A_124] : memref<2x3x128xi32, #tpu.memory_space<vmem>> -> memref<1x3x128xi32, #tpu.memory_space<vmem>>
    %dma_wait3A_126 = tpu.memref_squeeze %dma_wait3A_125 : memref<1x3x128xi32, #tpu.memory_space<vmem>> -> memref<3x128xi32, #tpu.memory_space<vmem>>
    %dma_wait3A_127 = arith.constant 0 : i32
    %dma_wait3A_128 = tpu.memref_slice %arg4[%add3A_109, %dma_wait3A_127] : memref<2500x128xi32, #tpu.memory_space<hbm>> -> memref<3x128xi32, #tpu.memory_space<hbm>>
    %dma_wait3A_129 = arith.constant 0 : i32
    %dma_wait3A_130 = arith.constant 0 : i32
    %dma_wait3A_131 = tpu.memref_slice %arg8[%dma_wait3A_122, %dma_wait3A_129, %dma_wait3A_130] : memref<2x3x128xi32, #tpu.memory_space<vmem>> -> memref<1x3x128xi32, #tpu.memory_space<vmem>>
    %dma_wait3A_132 = tpu.memref_squeeze %dma_wait3A_131 : memref<1x3x128xi32, #tpu.memory_space<vmem>> -> memref<3x128xi32, #tpu.memory_space<vmem>>
    %dma_wait3A_133 = arith.constant 0 : i32
    %dma_wait3A_134 = tpu.memref_slice %arg4[%add3A_109, %dma_wait3A_133] : memref<2500x128xi32, #tpu.memory_space<hbm>> -> memref<3x128xi32, #tpu.memory_space<hbm>>
    tpu.wait_dma2 semaphore(%arg18 : memref<!tpu.dma_semaphore, #tpu.memory_space<semaphore_mem>>) src(%dma_wait3A_134 : memref<3x128xi32, #tpu.memory_space<hbm>>) dst(%dma_wait3A_132 : memref<3x128xi32, #tpu.memory_space<vmem>>)
    %dma_start3A_135 = arith.constant 0 : i32
    %dma_start3A_136 = arith.constant 0 : i32
    %dma_start3A_137 = arith.constant 0 : i32
    %dma_start3A_138 = arith.constant 0 : i32
    %dma_start3A_139 = arith.constant 0 : i32
    %dma_start3A_140 = arith.constant 0 : i32
    %dma_start3A_141 = tpu.memref_slice %arg9[%dma_start3A_137, %dma_start3A_138, %dma_start3A_139, %dma_start3A_140] : memref<2x3x128x64xf32, #tpu.memory_space<vmem>> -> memref<1x1x128x64xf32, #tpu.memory_space<vmem>>
    %dma_start3A_142 = tpu.memref_squeeze %dma_start3A_141 : memref<1x1x128x64xf32, #tpu.memory_space<vmem>> -> memref<128x64xf32, #tpu.memory_space<vmem>>
    %dma_start3A_143 = arith.constant 0 : i32
    %dma_start3A_144 = tpu.memref_slice %arg7[%dma_start3A_135, %dma_start3A_136, %dma_start3A_143] : memref<2x3x128xi32, #tpu.memory_space<vmem>> -> memref<1x1x128xi32, #tpu.memory_space<vmem>>
    %dma_start3A_145 = tpu.memref_squeeze %dma_start3A_144 : memref<1x1x128xi32, #tpu.memory_space<vmem>> -> memref<128xi32, #tpu.memory_space<vmem>>
    %dma_start3A_146 = arith.constant 0 : i32
    %dma_start3A_147 = arith.constant 0 : i32
    %dma_start3A_148 = tpu.memref_slice %arg2[%arg0, %dma_start3A_146, %dma_start3A_147] : memref<2x10000x64xf32, #tpu.memory_space<hbm>> -> memref<1x10000x64xf32, #tpu.memory_space<hbm>>
    %dma_start3A_149 = tpu.memref_squeeze %dma_start3A_148 : memref<1x10000x64xf32, #tpu.memory_space<hbm>> -> memref<10000x64xf32, #tpu.memory_space<hbm>>
    %dma_start3A_150 = arith.constant 0 : i32
    %dma_start3A_151 = arith.constant 0 : i32
    %dma_start3A_152 = tpu.memref_slice %dma_start3A_149[%dma_start3A_150, %dma_start3A_151] : memref<10000x64xf32, #tpu.memory_space<hbm>> -> memref<10000x64xf32, #tpu.memory_space<hbm>>
    tpu.enqueue_indirect_dma source(%dma_start3A_152 : memref<10000x64xf32, #tpu.memory_space<hbm>>) target(%dma_start3A_142 : memref<128x64xf32, #tpu.memory_space<vmem>>) offsets(%dma_start3A_145 : memref<128xi32, #tpu.memory_space<vmem>>) semaphore(%arg14 : memref<!tpu.dma_semaphore, #tpu.memory_space<semaphore_mem>>)
    %dma_start3A_153 = arith.constant 0 : i32
    %dma_start3A_154 = arith.constant 1 : i32
    %dma_start3A_155 = arith.constant 0 : i32
    %dma_start3A_156 = arith.constant 1 : i32
    %dma_start3A_157 = arith.constant 0 : i32
    %dma_start3A_158 = arith.constant 0 : i32
    %dma_start3A_159 = tpu.memref_slice %arg9[%dma_start3A_155, %dma_start3A_156, %dma_start3A_157, %dma_start3A_158] : memref<2x3x128x64xf32, #tpu.memory_space<vmem>> -> memref<1x1x128x64xf32, #tpu.memory_space<vmem>>
    %dma_start3A_160 = tpu.memref_squeeze %dma_start3A_159 : memref<1x1x128x64xf32, #tpu.memory_space<vmem>> -> memref<128x64xf32, #tpu.memory_space<vmem>>
    %dma_start3A_161 = arith.constant 0 : i32
    %dma_start3A_162 = tpu.memref_slice %arg7[%dma_start3A_153, %dma_start3A_154, %dma_start3A_161] : memref<2x3x128xi32, #tpu.memory_space<vmem>> -> memref<1x1x128xi32, #tpu.memory_space<vmem>>
    %dma_start3A_163 = tpu.memref_squeeze %dma_start3A_162 : memref<1x1x128xi32, #tpu.memory_space<vmem>> -> memref<128xi32, #tpu.memory_space<vmem>>
    %dma_start3A_164 = arith.constant 0 : i32
    %dma_start3A_165 = arith.constant 0 : i32
    %dma_start3A_166 = tpu.memref_slice %arg2[%arg0, %dma_start3A_164, %dma_start3A_165] : memref<2x10000x64xf32, #tpu.memory_space<hbm>> -> memref<1x10000x64xf32, #tpu.memory_space<hbm>>
    %dma_start3A_167 = tpu.memref_squeeze %dma_start3A_166 : memref<1x10000x64xf32, #tpu.memory_space<hbm>> -> memref<10000x64xf32, #tpu.memory_space<hbm>>
    %dma_start3A_168 = arith.constant 0 : i32
    %dma_start3A_169 = arith.constant 0 : i32
    %dma_start3A_170 = tpu.memref_slice %dma_start3A_167[%dma_start3A_168, %dma_start3A_169] : memref<10000x64xf32, #tpu.memory_space<hbm>> -> memref<10000x64xf32, #tpu.memory_space<hbm>>
    tpu.enqueue_indirect_dma source(%dma_start3A_170 : memref<10000x64xf32, #tpu.memory_space<hbm>>) target(%dma_start3A_160 : memref<128x64xf32, #tpu.memory_space<vmem>>) offsets(%dma_start3A_163 : memref<128xi32, #tpu.memory_space<vmem>>) semaphore(%arg14 : memref<!tpu.dma_semaphore, #tpu.memory_space<semaphore_mem>>)
    %dma_start3A_171 = arith.constant 0 : i32
    %dma_start3A_172 = arith.constant 2 : i32
    %dma_start3A_173 = arith.constant 0 : i32
    %dma_start3A_174 = arith.constant 2 : i32
    %dma_start3A_175 = arith.constant 0 : i32
    %dma_start3A_176 = arith.constant 0 : i32
    %dma_start3A_177 = tpu.memref_slice %arg9[%dma_start3A_173, %dma_start3A_174, %dma_start3A_175, %dma_start3A_176] : memref<2x3x128x64xf32, #tpu.memory_space<vmem>> -> memref<1x1x128x64xf32, #tpu.memory_space<vmem>>
    %dma_start3A_178 = tpu.memref_squeeze %dma_start3A_177 : memref<1x1x128x64xf32, #tpu.memory_space<vmem>> -> memref<128x64xf32, #tpu.memory_space<vmem>>
    %dma_start3A_179 = arith.constant 0 : i32
    %dma_start3A_180 = tpu.memref_slice %arg7[%dma_start3A_171, %dma_start3A_172, %dma_start3A_179] : memref<2x3x128xi32, #tpu.memory_space<vmem>> -> memref<1x1x128xi32, #tpu.memory_space<vmem>>
    %dma_start3A_181 = tpu.memref_squeeze %dma_start3A_180 : memref<1x1x128xi32, #tpu.memory_space<vmem>> -> memref<128xi32, #tpu.memory_space<vmem>>
    %dma_start3A_182 = arith.constant 0 : i32
    %dma_start3A_183 = arith.constant 0 : i32
    %dma_start3A_184 = tpu.memref_slice %arg2[%arg0, %dma_start3A_182, %dma_start3A_183] : memref<2x10000x64xf32, #tpu.memory_space<hbm>> -> memref<1x10000x64xf32, #tpu.memory_space<hbm>>
    %dma_start3A_185 = tpu.memref_squeeze %dma_start3A_184 : memref<1x10000x64xf32, #tpu.memory_space<hbm>> -> memref<10000x64xf32, #tpu.memory_space<hbm>>
    %dma_start3A_186 = arith.constant 0 : i32
    %dma_start3A_187 = arith.constant 0 : i32
    %dma_start3A_188 = tpu.memref_slice %dma_start3A_185[%dma_start3A_186, %dma_start3A_187] : memref<10000x64xf32, #tpu.memory_space<hbm>> -> memref<10000x64xf32, #tpu.memory_space<hbm>>
    tpu.enqueue_indirect_dma source(%dma_start3A_188 : memref<10000x64xf32, #tpu.memory_space<hbm>>) target(%dma_start3A_178 : memref<128x64xf32, #tpu.memory_space<vmem>>) offsets(%dma_start3A_181 : memref<128xi32, #tpu.memory_space<vmem>>) semaphore(%arg14 : memref<!tpu.dma_semaphore, #tpu.memory_space<semaphore_mem>>)
    %scan3A_189 = arith.constant 0 : i32
    %scan3A_190 = arith.constant 0 : i32
    %scan3A_191 = arith.constant 26 : i32
    %scan3A_192 = arith.addi %scan3A_190, %scan3A_191 : i32
    %scan3A_193 = arith.constant 1 : i32
    scf.for %scan3A_198 = %scan3A_190 to %scan3A_192 step %scan3A_193  : i32 {
      %mul3A_199 = arith.constant 2 : i32
      %mul3A_200 = arith.muli %mul3A_199, %scan3A_198 : i32
      %add3A_201 = arith.constant 1 : i32
      %add3A_202 = arith.addi %mul3A_200, %add3A_201 : i32
      %mul3A_203 = arith.constant 3 : i32
      %mul3A_204 = arith.muli %add3A_202, %mul3A_203 : i32
      %add3A_205 = arith.addi %add3A_52, %mul3A_204 : i32
      %dma_wait3A_206 = arith.constant 1 : i32
      %dma_wait3A_207 = arith.constant 0 : i32
      %dma_wait3A_208 = arith.constant 0 : i32
      %dma_wait3A_209 = tpu.memref_slice %arg7[%dma_wait3A_206, %dma_wait3A_207, %dma_wait3A_208] : memref<2x3x128xi32, #tpu.memory_space<vmem>> -> memref<1x3x128xi32, #tpu.memory_space<vmem>>
      %dma_wait3A_210 = tpu.memref_squeeze %dma_wait3A_209 : memref<1x3x128xi32, #tpu.memory_space<vmem>> -> memref<3x128xi32, #tpu.memory_space<vmem>>
      %dma_wait3A_211 = arith.constant 0 : i32
      %dma_wait3A_212 = tpu.memref_slice %arg3[%add3A_205, %dma_wait3A_211] : memref<2500x128xi32, #tpu.memory_space<hbm>> -> memref<3x128xi32, #tpu.memory_space<hbm>>
      %dma_wait3A_213 = arith.constant 0 : i32
      %dma_wait3A_214 = arith.constant 0 : i32
      %dma_wait3A_215 = tpu.memref_slice %arg7[%dma_wait3A_206, %dma_wait3A_213, %dma_wait3A_214] : memref<2x3x128xi32, #tpu.memory_space<vmem>> -> memref<1x3x128xi32, #tpu.memory_space<vmem>>
      %dma_wait3A_216 = tpu.memref_squeeze %dma_wait3A_215 : memref<1x3x128xi32, #tpu.memory_space<vmem>> -> memref<3x128xi32, #tpu.memory_space<vmem>>
      %dma_wait3A_217 = arith.constant 0 : i32
      %dma_wait3A_218 = tpu.memref_slice %arg3[%add3A_205, %dma_wait3A_217] : memref<2500x128xi32, #tpu.memory_space<hbm>> -> memref<3x128xi32, #tpu.memory_space<hbm>>
      tpu.wait_dma2 semaphore(%arg19 : memref<!tpu.dma_semaphore, #tpu.memory_space<semaphore_mem>>) src(%dma_wait3A_218 : memref<3x128xi32, #tpu.memory_space<hbm>>) dst(%dma_wait3A_216 : memref<3x128xi32, #tpu.memory_space<vmem>>)
      %dma_wait3A_219 = arith.constant 1 : i32
      %dma_wait3A_220 = arith.constant 0 : i32
      %dma_wait3A_221 = arith.constant 0 : i32
      %dma_wait3A_222 = tpu.memref_slice %arg8[%dma_wait3A_219, %dma_wait3A_220, %dma_wait3A_221] : memref<2x3x128xi32, #tpu.memory_space<vmem>> -> memref<1x3x128xi32, #tpu.memory_space<vmem>>
      %dma_wait3A_223 = tpu.memref_squeeze %dma_wait3A_222 : memref<1x3x128xi32, #tpu.memory_space<vmem>> -> memref<3x128xi32, #tpu.memory_space<vmem>>
      %dma_wait3A_224 = arith.constant 0 : i32
      %dma_wait3A_225 = tpu.memref_slice %arg4[%add3A_205, %dma_wait3A_224] : memref<2500x128xi32, #tpu.memory_space<hbm>> -> memref<3x128xi32, #tpu.memory_space<hbm>>
      %dma_wait3A_226 = arith.constant 0 : i32
      %dma_wait3A_227 = arith.constant 0 : i32
      %dma_wait3A_228 = tpu.memref_slice %arg8[%dma_wait3A_219, %dma_wait3A_226, %dma_wait3A_227] : memref<2x3x128xi32, #tpu.memory_space<vmem>> -> memref<1x3x128xi32, #tpu.memory_space<vmem>>
      %dma_wait3A_229 = tpu.memref_squeeze %dma_wait3A_228 : memref<1x3x128xi32, #tpu.memory_space<vmem>> -> memref<3x128xi32, #tpu.memory_space<vmem>>
      %dma_wait3A_230 = arith.constant 0 : i32
      %dma_wait3A_231 = tpu.memref_slice %arg4[%add3A_205, %dma_wait3A_230] : memref<2500x128xi32, #tpu.memory_space<hbm>> -> memref<3x128xi32, #tpu.memory_space<hbm>>
      tpu.wait_dma2 semaphore(%arg19 : memref<!tpu.dma_semaphore, #tpu.memory_space<semaphore_mem>>) src(%dma_wait3A_231 : memref<3x128xi32, #tpu.memory_space<hbm>>) dst(%dma_wait3A_229 : memref<3x128xi32, #tpu.memory_space<vmem>>)
      %dma_start3A_232 = arith.constant 1 : i32
      %dma_start3A_233 = arith.constant 0 : i32
      %dma_start3A_234 = arith.constant 1 : i32
      %dma_start3A_235 = arith.constant 0 : i32
      %dma_start3A_236 = arith.constant 0 : i32
      %dma_start3A_237 = arith.constant 0 : i32
      %dma_start3A_238 = tpu.memref_slice %arg9[%dma_start3A_234, %dma_start3A_235, %dma_start3A_236, %dma_start3A_237] : memref<2x3x128x64xf32, #tpu.memory_space<vmem>> -> memref<1x1x128x64xf32, #tpu.memory_space<vmem>>
      %dma_start3A_239 = tpu.memref_squeeze %dma_start3A_238 : memref<1x1x128x64xf32, #tpu.memory_space<vmem>> -> memref<128x64xf32, #tpu.memory_space<vmem>>
      %dma_start3A_240 = arith.constant 0 : i32
      %dma_start3A_241 = tpu.memref_slice %arg7[%dma_start3A_232, %dma_start3A_233, %dma_start3A_240] : memref<2x3x128xi32, #tpu.memory_space<vmem>> -> memref<1x1x128xi32, #tpu.memory_space<vmem>>
      %dma_start3A_242 = tpu.memref_squeeze %dma_start3A_241 : memref<1x1x128xi32, #tpu.memory_space<vmem>> -> memref<128xi32, #tpu.memory_space<vmem>>
      %dma_start3A_243 = arith.constant 0 : i32
      %dma_start3A_244 = arith.constant 0 : i32
      %dma_start3A_245 = tpu.memref_slice %arg2[%arg0, %dma_start3A_243, %dma_start3A_244] : memref<2x10000x64xf32, #tpu.memory_space<hbm>> -> memref<1x10000x64xf32, #tpu.memory_space<hbm>>
      %dma_start3A_246 = tpu.memref_squeeze %dma_start3A_245 : memref<1x10000x64xf32, #tpu.memory_space<hbm>> -> memref<10000x64xf32, #tpu.memory_space<hbm>>
      %dma_start3A_247 = arith.constant 0 : i32
      %dma_start3A_248 = arith.constant 0 : i32
      %dma_start3A_249 = tpu.memref_slice %dma_start3A_246[%dma_start3A_247, %dma_start3A_248] : memref<10000x64xf32, #tpu.memory_space<hbm>> -> memref<10000x64xf32, #tpu.memory_space<hbm>>
      tpu.enqueue_indirect_dma source(%dma_start3A_249 : memref<10000x64xf32, #tpu.memory_space<hbm>>) target(%dma_start3A_239 : memref<128x64xf32, #tpu.memory_space<vmem>>) offsets(%dma_start3A_242 : memref<128xi32, #tpu.memory_space<vmem>>) semaphore(%arg15 : memref<!tpu.dma_semaphore, #tpu.memory_space<semaphore_mem>>)
      %dma_start3A_250 = arith.constant 1 : i32
      %dma_start3A_251 = arith.constant 1 : i32
      %dma_start3A_252 = arith.constant 1 : i32
      %dma_start3A_253 = arith.constant 1 : i32
      %dma_start3A_254 = arith.constant 0 : i32
      %dma_start3A_255 = arith.constant 0 : i32
      %dma_start3A_256 = tpu.memref_slice %arg9[%dma_start3A_252, %dma_start3A_253, %dma_start3A_254, %dma_start3A_255] : memref<2x3x128x64xf32, #tpu.memory_space<vmem>> -> memref<1x1x128x64xf32, #tpu.memory_space<vmem>>
      %dma_start3A_257 = tpu.memref_squeeze %dma_start3A_256 : memref<1x1x128x64xf32, #tpu.memory_space<vmem>> -> memref<128x64xf32, #tpu.memory_space<vmem>>
      %dma_start3A_258 = arith.constant 0 : i32
      %dma_start3A_259 = tpu.memref_slice %arg7[%dma_start3A_250, %dma_start3A_251, %dma_start3A_258] : memref<2x3x128xi32, #tpu.memory_space<vmem>> -> memref<1x1x128xi32, #tpu.memory_space<vmem>>
      %dma_start3A_260 = tpu.memref_squeeze %dma_start3A_259 : memref<1x1x128xi32, #tpu.memory_space<vmem>> -> memref<128xi32, #tpu.memory_space<vmem>>
      %dma_start3A_261 = arith.constant 0 : i32
      %dma_start3A_262 = arith.constant 0 : i32
      %dma_start3A_263 = tpu.memref_slice %arg2[%arg0, %dma_start3A_261, %dma_start3A_262] : memref<2x10000x64xf32, #tpu.memory_space<hbm>> -> memref<1x10000x64xf32, #tpu.memory_space<hbm>>
      %dma_start3A_264 = tpu.memref_squeeze %dma_start3A_263 : memref<1x10000x64xf32, #tpu.memory_space<hbm>> -> memref<10000x64xf32, #tpu.memory_space<hbm>>
      %dma_start3A_265 = arith.constant 0 : i32
      %dma_start3A_266 = arith.constant 0 : i32
      %dma_start3A_267 = tpu.memref_slice %dma_start3A_264[%dma_start3A_265, %dma_start3A_266] : memref<10000x64xf32, #tpu.memory_space<hbm>> -> memref<10000x64xf32, #tpu.memory_space<hbm>>
      tpu.enqueue_indirect_dma source(%dma_start3A_267 : memref<10000x64xf32, #tpu.memory_space<hbm>>) target(%dma_start3A_257 : memref<128x64xf32, #tpu.memory_space<vmem>>) offsets(%dma_start3A_260 : memref<128xi32, #tpu.memory_space<vmem>>) semaphore(%arg15 : memref<!tpu.dma_semaphore, #tpu.memory_space<semaphore_mem>>)
      %dma_start3A_268 = arith.constant 1 : i32
      %dma_start3A_269 = arith.constant 2 : i32
      %dma_start3A_270 = arith.constant 1 : i32
      %dma_start3A_271 = arith.constant 2 : i32
      %dma_start3A_272 = arith.constant 0 : i32
      %dma_start3A_273 = arith.constant 0 : i32
      %dma_start3A_274 = tpu.memref_slice %arg9[%dma_start3A_270, %dma_start3A_271, %dma_start3A_272, %dma_start3A_273] : memref<2x3x128x64xf32, #tpu.memory_space<vmem>> -> memref<1x1x128x64xf32, #tpu.memory_space<vmem>>
      %dma_start3A_275 = tpu.memref_squeeze %dma_start3A_274 : memref<1x1x128x64xf32, #tpu.memory_space<vmem>> -> memref<128x64xf32, #tpu.memory_space<vmem>>
      %dma_start3A_276 = arith.constant 0 : i32
      %dma_start3A_277 = tpu.memref_slice %arg7[%dma_start3A_268, %dma_start3A_269, %dma_start3A_276] : memref<2x3x128xi32, #tpu.memory_space<vmem>> -> memref<1x1x128xi32, #tpu.memory_space<vmem>>
      %dma_start3A_278 = tpu.memref_squeeze %dma_start3A_277 : memref<1x1x128xi32, #tpu.memory_space<vmem>> -> memref<128xi32, #tpu.memory_space<vmem>>
      %dma_start3A_279 = arith.constant 0 : i32
      %dma_start3A_280 = arith.constant 0 : i32
      %dma_start3A_281 = tpu.memref_slice %arg2[%arg0, %dma_start3A_279, %dma_start3A_280] : memref<2x10000x64xf32, #tpu.memory_space<hbm>> -> memref<1x10000x64xf32, #tpu.memory_space<hbm>>
      %dma_start3A_282 = tpu.memref_squeeze %dma_start3A_281 : memref<1x10000x64xf32, #tpu.memory_space<hbm>> -> memref<10000x64xf32, #tpu.memory_space<hbm>>
      %dma_start3A_283 = arith.constant 0 : i32
      %dma_start3A_284 = arith.constant 0 : i32
      %dma_start3A_285 = tpu.memref_slice %dma_start3A_282[%dma_start3A_283, %dma_start3A_284] : memref<10000x64xf32, #tpu.memory_space<hbm>> -> memref<10000x64xf32, #tpu.memory_space<hbm>>
      tpu.enqueue_indirect_dma source(%dma_start3A_285 : memref<10000x64xf32, #tpu.memory_space<hbm>>) target(%dma_start3A_275 : memref<128x64xf32, #tpu.memory_space<vmem>>) offsets(%dma_start3A_278 : memref<128xi32, #tpu.memory_space<vmem>>) semaphore(%arg15 : memref<!tpu.dma_semaphore, #tpu.memory_space<semaphore_mem>>)
      %dma_wait3A_286 = arith.constant 0 : i32
      %dma_wait3A_287 = arith.constant 0 : i32
      %dma_wait3A_288 = arith.constant 0 : i32
      %dma_wait3A_289 = arith.constant 0 : i32
      %dma_wait3A_290 = arith.constant 0 : i32
      %dma_wait3A_291 = arith.constant 0 : i32
      %dma_wait3A_292 = tpu.memref_slice %arg9[%dma_wait3A_288, %dma_wait3A_289, %dma_wait3A_290, %dma_wait3A_291] : memref<2x3x128x64xf32, #tpu.memory_space<vmem>> -> memref<1x1x128x64xf32, #tpu.memory_space<vmem>>
      %dma_wait3A_293 = tpu.memref_squeeze %dma_wait3A_292 : memref<1x1x128x64xf32, #tpu.memory_space<vmem>> -> memref<128x64xf32, #tpu.memory_space<vmem>>
      %dma_wait3A_294 = arith.constant 0 : i32
      %dma_wait3A_295 = tpu.memref_slice %arg7[%dma_wait3A_286, %dma_wait3A_287, %dma_wait3A_294] : memref<2x3x128xi32, #tpu.memory_space<vmem>> -> memref<1x1x128xi32, #tpu.memory_space<vmem>>
      %dma_wait3A_296 = tpu.memref_squeeze %dma_wait3A_295 : memref<1x1x128xi32, #tpu.memory_space<vmem>> -> memref<128xi32, #tpu.memory_space<vmem>>
      %dma_wait3A_297 = arith.constant 0 : i32
      %dma_wait3A_298 = arith.constant 0 : i32
      %dma_wait3A_299 = tpu.memref_slice %arg2[%arg0, %dma_wait3A_297, %dma_wait3A_298] : memref<2x10000x64xf32, #tpu.memory_space<hbm>> -> memref<1x10000x64xf32, #tpu.memory_space<hbm>>
      %dma_wait3A_300 = tpu.memref_squeeze %dma_wait3A_299 : memref<1x10000x64xf32, #tpu.memory_space<hbm>> -> memref<10000x64xf32, #tpu.memory_space<hbm>>
      %dma_wait3A_301 = arith.constant 0 : i32
      %dma_wait3A_302 = arith.constant 0 : i32
      %dma_wait3A_303 = tpu.memref_slice %dma_wait3A_300[%dma_wait3A_301, %dma_wait3A_302] : memref<10000x64xf32, #tpu.memory_space<hbm>> -> memref<10000x64xf32, #tpu.memory_space<hbm>>
      tpu.wait_indirect_dma semaphore(%arg14 : memref<!tpu.dma_semaphore, #tpu.memory_space<semaphore_mem>>) src(%dma_wait3A_303 : memref<10000x64xf32, #tpu.memory_space<hbm>>) dst(%dma_wait3A_293 : memref<128x64xf32, #tpu.memory_space<vmem>>)
      %dma_wait3A_304 = arith.constant 0 : i32
      %dma_wait3A_305 = arith.constant 1 : i32
      %dma_wait3A_306 = arith.constant 0 : i32
      %dma_wait3A_307 = arith.constant 1 : i32
      %dma_wait3A_308 = arith.constant 0 : i32
      %dma_wait3A_309 = arith.constant 0 : i32
      %dma_wait3A_310 = tpu.memref_slice %arg9[%dma_wait3A_306, %dma_wait3A_307, %dma_wait3A_308, %dma_wait3A_309] : memref<2x3x128x64xf32, #tpu.memory_space<vmem>> -> memref<1x1x128x64xf32, #tpu.memory_space<vmem>>
      %dma_wait3A_311 = tpu.memref_squeeze %dma_wait3A_310 : memref<1x1x128x64xf32, #tpu.memory_space<vmem>> -> memref<128x64xf32, #tpu.memory_space<vmem>>
      %dma_wait3A_312 = arith.constant 0 : i32
      %dma_wait3A_313 = tpu.memref_slice %arg7[%dma_wait3A_304, %dma_wait3A_305, %dma_wait3A_312] : memref<2x3x128xi32, #tpu.memory_space<vmem>> -> memref<1x1x128xi32, #tpu.memory_space<vmem>>
      %dma_wait3A_314 = tpu.memref_squeeze %dma_wait3A_313 : memref<1x1x128xi32, #tpu.memory_space<vmem>> -> memref<128xi32, #tpu.memory_space<vmem>>
      %dma_wait3A_315 = arith.constant 0 : i32
      %dma_wait3A_316 = arith.constant 0 : i32
      %dma_wait3A_317 = tpu.memref_slice %arg2[%arg0, %dma_wait3A_315, %dma_wait3A_316] : memref<2x10000x64xf32, #tpu.memory_space<hbm>> -> memref<1x10000x64xf32, #tpu.memory_space<hbm>>
      %dma_wait3A_318 = tpu.memref_squeeze %dma_wait3A_317 : memref<1x10000x64xf32, #tpu.memory_space<hbm>> -> memref<10000x64xf32, #tpu.memory_space<hbm>>
      %dma_wait3A_319 = arith.constant 0 : i32
      %dma_wait3A_320 = arith.constant 0 : i32
      %dma_wait3A_321 = tpu.memref_slice %dma_wait3A_318[%dma_wait3A_319, %dma_wait3A_320] : memref<10000x64xf32, #tpu.memory_space<hbm>> -> memref<10000x64xf32, #tpu.memory_space<hbm>>
      tpu.wait_indirect_dma semaphore(%arg14 : memref<!tpu.dma_semaphore, #tpu.memory_space<semaphore_mem>>) src(%dma_wait3A_321 : memref<10000x64xf32, #tpu.memory_space<hbm>>) dst(%dma_wait3A_311 : memref<128x64xf32, #tpu.memory_space<vmem>>)
      %dma_wait3A_322 = arith.constant 0 : i32
      %dma_wait3A_323 = arith.constant 2 : i32
      %dma_wait3A_324 = arith.constant 0 : i32
      %dma_wait3A_325 = arith.constant 2 : i32
      %dma_wait3A_326 = arith.constant 0 : i32
      %dma_wait3A_327 = arith.constant 0 : i32
      %dma_wait3A_328 = tpu.memref_slice %arg9[%dma_wait3A_324, %dma_wait3A_325, %dma_wait3A_326, %dma_wait3A_327] : memref<2x3x128x64xf32, #tpu.memory_space<vmem>> -> memref<1x1x128x64xf32, #tpu.memory_space<vmem>>
      %dma_wait3A_329 = tpu.memref_squeeze %dma_wait3A_328 : memref<1x1x128x64xf32, #tpu.memory_space<vmem>> -> memref<128x64xf32, #tpu.memory_space<vmem>>
      %dma_wait3A_330 = arith.constant 0 : i32
      %dma_wait3A_331 = tpu.memref_slice %arg7[%dma_wait3A_322, %dma_wait3A_323, %dma_wait3A_330] : memref<2x3x128xi32, #tpu.memory_space<vmem>> -> memref<1x1x128xi32, #tpu.memory_space<vmem>>
      %dma_wait3A_332 = tpu.memref_squeeze %dma_wait3A_331 : memref<1x1x128xi32, #tpu.memory_space<vmem>> -> memref<128xi32, #tpu.memory_space<vmem>>
      %dma_wait3A_333 = arith.constant 0 : i32
      %dma_wait3A_334 = arith.constant 0 : i32
      %dma_wait3A_335 = tpu.memref_slice %arg2[%arg0, %dma_wait3A_333, %dma_wait3A_334] : memref<2x10000x64xf32, #tpu.memory_space<hbm>> -> memref<1x10000x64xf32, #tpu.memory_space<hbm>>
      %dma_wait3A_336 = tpu.memref_squeeze %dma_wait3A_335 : memref<1x10000x64xf32, #tpu.memory_space<hbm>> -> memref<10000x64xf32, #tpu.memory_space<hbm>>
      %dma_wait3A_337 = arith.constant 0 : i32
      %dma_wait3A_338 = arith.constant 0 : i32
      %dma_wait3A_339 = tpu.memref_slice %dma_wait3A_336[%dma_wait3A_337, %dma_wait3A_338] : memref<10000x64xf32, #tpu.memory_space<hbm>> -> memref<10000x64xf32, #tpu.memory_space<hbm>>
      tpu.wait_indirect_dma semaphore(%arg14 : memref<!tpu.dma_semaphore, #tpu.memory_space<semaphore_mem>>) src(%dma_wait3A_339 : memref<10000x64xf32, #tpu.memory_space<hbm>>) dst(%dma_wait3A_329 : memref<128x64xf32, #tpu.memory_space<vmem>>)
      %dma_start3A_340 = arith.constant 0 : i32
      %dma_start3A_341 = arith.constant 0 : i32
      %dma_start3A_342 = arith.constant 0 : i32
      %dma_start3A_343 = arith.constant 0 : i32
      %dma_start3A_344 = arith.constant 0 : i32
      %dma_start3A_345 = arith.constant 0 : i32
      %dma_start3A_346 = tpu.memref_slice %arg9[%dma_start3A_340, %dma_start3A_341, %dma_start3A_344, %dma_start3A_345] : memref<2x3x128x64xf32, #tpu.memory_space<vmem>> -> memref<1x1x128x64xf32, #tpu.memory_space<vmem>>
      %dma_start3A_347 = tpu.memref_squeeze %dma_start3A_346 : memref<1x1x128x64xf32, #tpu.memory_space<vmem>> -> memref<128x64xf32, #tpu.memory_space<vmem>>
      %dma_start3A_348 = arith.constant 0 : i32
      %dma_start3A_349 = tpu.memref_slice %arg8[%dma_start3A_342, %dma_start3A_343, %dma_start3A_348] : memref<2x3x128xi32, #tpu.memory_space<vmem>> -> memref<1x1x128xi32, #tpu.memory_space<vmem>>
      %dma_start3A_350 = tpu.memref_squeeze %dma_start3A_349 : memref<1x1x128xi32, #tpu.memory_space<vmem>> -> memref<128xi32, #tpu.memory_space<vmem>>
      %dma_start3A_351 = arith.constant 0 : i32
      %dma_start3A_352 = arith.constant 0 : i32
      %dma_start3A_353 = tpu.memref_slice %arg12[%dma_start3A_351, %dma_start3A_352] : memref<10240x64xf32, #tpu.memory_space<vmem_shared>> -> memref<10240x64xf32, #tpu.memory_space<vmem_shared>>
      tpu.enqueue_indirect_dma source(%dma_start3A_347 : memref<128x64xf32, #tpu.memory_space<vmem>>) target(%dma_start3A_353 : memref<10240x64xf32, #tpu.memory_space<vmem_shared>>) offsets(%dma_start3A_350 : memref<128xi32, #tpu.memory_space<vmem>>) semaphore(%arg16 : memref<!tpu.dma_semaphore, #tpu.memory_space<semaphore_mem>>) {add = true}
      %dma_start3A_354 = arith.constant 0 : i32
      %dma_start3A_355 = arith.constant 0 : i32
      %dma_start3A_356 = arith.constant 0 : i32
      %dma_start3A_357 = tpu.memref_slice %arg8[%dma_start3A_354, %dma_start3A_355, %dma_start3A_356] : memref<2x3x128xi32, #tpu.memory_space<vmem>> -> memref<1x1x128xi32, #tpu.memory_space<vmem>>
      %dma_start3A_358 = tpu.memref_squeeze %dma_start3A_357 : memref<1x1x128xi32, #tpu.memory_space<vmem>> -> memref<128xi32, #tpu.memory_space<vmem>>
      %dma_start3A_359 = arith.constant 0 : i32
      %dma_start3A_360 = arith.constant 0 : i32
      %dma_start3A_361 = tpu.memref_slice %arg13[%dma_start3A_359, %dma_start3A_360] : memref<10240x16xf32, #tpu.memory_space<vmem_shared>> -> memref<10240x16xf32, #tpu.memory_space<vmem_shared>>
      tpu.enqueue_indirect_dma source(%arg10 : memref<128x16xf32, #tpu.memory_space<vmem>>) target(%dma_start3A_361 : memref<10240x16xf32, #tpu.memory_space<vmem_shared>>) offsets(%dma_start3A_358 : memref<128xi32, #tpu.memory_space<vmem>>) semaphore(%arg16 : memref<!tpu.dma_semaphore, #tpu.memory_space<semaphore_mem>>) {add = true}
      %dma_start3A_362 = arith.constant 0 : i32
      %dma_start3A_363 = arith.constant 1 : i32
      %dma_start3A_364 = arith.constant 0 : i32
      %dma_start3A_365 = arith.constant 1 : i32
      %dma_start3A_366 = arith.constant 0 : i32
      %dma_start3A_367 = arith.constant 0 : i32
      %dma_start3A_368 = tpu.memref_slice %arg9[%dma_start3A_362, %dma_start3A_363, %dma_start3A_366, %dma_start3A_367] : memref<2x3x128x64xf32, #tpu.memory_space<vmem>> -> memref<1x1x128x64xf32, #tpu.memory_space<vmem>>
      %dma_start3A_369 = tpu.memref_squeeze %dma_start3A_368 : memref<1x1x128x64xf32, #tpu.memory_space<vmem>> -> memref<128x64xf32, #tpu.memory_space<vmem>>
      %dma_start3A_370 = arith.constant 0 : i32
      %dma_start3A_371 = tpu.memref_slice %arg8[%dma_start3A_364, %dma_start3A_365, %dma_start3A_370] : memref<2x3x128xi32, #tpu.memory_space<vmem>> -> memref<1x1x128xi32, #tpu.memory_space<vmem>>
      %dma_start3A_372 = tpu.memref_squeeze %dma_start3A_371 : memref<1x1x128xi32, #tpu.memory_space<vmem>> -> memref<128xi32, #tpu.memory_space<vmem>>
      %dma_start3A_373 = arith.constant 0 : i32
      %dma_start3A_374 = arith.constant 0 : i32
      %dma_start3A_375 = tpu.memref_slice %arg12[%dma_start3A_373, %dma_start3A_374] : memref<10240x64xf32, #tpu.memory_space<vmem_shared>> -> memref<10240x64xf32, #tpu.memory_space<vmem_shared>>
      tpu.enqueue_indirect_dma source(%dma_start3A_369 : memref<128x64xf32, #tpu.memory_space<vmem>>) target(%dma_start3A_375 : memref<10240x64xf32, #tpu.memory_space<vmem_shared>>) offsets(%dma_start3A_372 : memref<128xi32, #tpu.memory_space<vmem>>) semaphore(%arg16 : memref<!tpu.dma_semaphore, #tpu.memory_space<semaphore_mem>>) {add = true}
      %dma_start3A_376 = arith.constant 0 : i32
      %dma_start3A_377 = arith.constant 1 : i32
      %dma_start3A_378 = arith.constant 0 : i32
      %dma_start3A_379 = tpu.memref_slice %arg8[%dma_start3A_376, %dma_start3A_377, %dma_start3A_378] : memref<2x3x128xi32, #tpu.memory_space<vmem>> -> memref<1x1x128xi32, #tpu.memory_space<vmem>>
      %dma_start3A_380 = tpu.memref_squeeze %dma_start3A_379 : memref<1x1x128xi32, #tpu.memory_space<vmem>> -> memref<128xi32, #tpu.memory_space<vmem>>
      %dma_start3A_381 = arith.constant 0 : i32
      %dma_start3A_382 = arith.constant 0 : i32
      %dma_start3A_383 = tpu.memref_slice %arg13[%dma_start3A_381, %dma_start3A_382] : memref<10240x16xf32, #tpu.memory_space<vmem_shared>> -> memref<10240x16xf32, #tpu.memory_space<vmem_shared>>
      tpu.enqueue_indirect_dma source(%arg10 : memref<128x16xf32, #tpu.memory_space<vmem>>) target(%dma_start3A_383 : memref<10240x16xf32, #tpu.memory_space<vmem_shared>>) offsets(%dma_start3A_380 : memref<128xi32, #tpu.memory_space<vmem>>) semaphore(%arg16 : memref<!tpu.dma_semaphore, #tpu.memory_space<semaphore_mem>>) {add = true}
      %dma_start3A_384 = arith.constant 0 : i32
      %dma_start3A_385 = arith.constant 2 : i32
      %dma_start3A_386 = arith.constant 0 : i32
      %dma_start3A_387 = arith.constant 2 : i32
      %dma_start3A_388 = arith.constant 0 : i32
      %dma_start3A_389 = arith.constant 0 : i32
      %dma_start3A_390 = tpu.memref_slice %arg9[%dma_start3A_384, %dma_start3A_385, %dma_start3A_388, %dma_start3A_389] : memref<2x3x128x64xf32, #tpu.memory_space<vmem>> -> memref<1x1x128x64xf32, #tpu.memory_space<vmem>>
      %dma_start3A_391 = tpu.memref_squeeze %dma_start3A_390 : memref<1x1x128x64xf32, #tpu.memory_space<vmem>> -> memref<128x64xf32, #tpu.memory_space<vmem>>
      %dma_start3A_392 = arith.constant 0 : i32
      %dma_start3A_393 = tpu.memref_slice %arg8[%dma_start3A_386, %dma_start3A_387, %dma_start3A_392] : memref<2x3x128xi32, #tpu.memory_space<vmem>> -> memref<1x1x128xi32, #tpu.memory_space<vmem>>
      %dma_start3A_394 = tpu.memref_squeeze %dma_start3A_393 : memref<1x1x128xi32, #tpu.memory_space<vmem>> -> memref<128xi32, #tpu.memory_space<vmem>>
      %dma_start3A_395 = arith.constant 0 : i32
      %dma_start3A_396 = arith.constant 0 : i32
      %dma_start3A_397 = tpu.memref_slice %arg12[%dma_start3A_395, %dma_start3A_396] : memref<10240x64xf32, #tpu.memory_space<vmem_shared>> -> memref<10240x64xf32, #tpu.memory_space<vmem_shared>>
      tpu.enqueue_indirect_dma source(%dma_start3A_391 : memref<128x64xf32, #tpu.memory_space<vmem>>) target(%dma_start3A_397 : memref<10240x64xf32, #tpu.memory_space<vmem_shared>>) offsets(%dma_start3A_394 : memref<128xi32, #tpu.memory_space<vmem>>) semaphore(%arg16 : memref<!tpu.dma_semaphore, #tpu.memory_space<semaphore_mem>>) {add = true}
      %dma_start3A_398 = arith.constant 0 : i32
      %dma_start3A_399 = arith.constant 2 : i32
      %dma_start3A_400 = arith.constant 0 : i32
      %dma_start3A_401 = tpu.memref_slice %arg8[%dma_start3A_398, %dma_start3A_399, %dma_start3A_400] : memref<2x3x128xi32, #tpu.memory_space<vmem>> -> memref<1x1x128xi32, #tpu.memory_space<vmem>>
      %dma_start3A_402 = tpu.memref_squeeze %dma_start3A_401 : memref<1x1x128xi32, #tpu.memory_space<vmem>> -> memref<128xi32, #tpu.memory_space<vmem>>
      %dma_start3A_403 = arith.constant 0 : i32
      %dma_start3A_404 = arith.constant 0 : i32
      %dma_start3A_405 = tpu.memref_slice %arg13[%dma_start3A_403, %dma_start3A_404] : memref<10240x16xf32, #tpu.memory_space<vmem_shared>> -> memref<10240x16xf32, #tpu.memory_space<vmem_shared>>
      tpu.enqueue_indirect_dma source(%arg10 : memref<128x16xf32, #tpu.memory_space<vmem>>) target(%dma_start3A_405 : memref<10240x16xf32, #tpu.memory_space<vmem_shared>>) offsets(%dma_start3A_402 : memref<128xi32, #tpu.memory_space<vmem>>) semaphore(%arg16 : memref<!tpu.dma_semaphore, #tpu.memory_space<semaphore_mem>>) {add = true}
      %dma_wait3A_406 = arith.constant 0 : i32
      %dma_wait3A_407 = arith.constant 0 : i32
      %dma_wait3A_408 = arith.constant 0 : i32
      %dma_wait3A_409 = arith.constant 0 : i32
      %dma_wait3A_410 = arith.constant 0 : i32
      %dma_wait3A_411 = arith.constant 0 : i32
      %dma_wait3A_412 = tpu.memref_slice %arg9[%dma_wait3A_406, %dma_wait3A_407, %dma_wait3A_410, %dma_wait3A_411] : memref<2x3x128x64xf32, #tpu.memory_space<vmem>> -> memref<1x1x128x64xf32, #tpu.memory_space<vmem>>
      %dma_wait3A_413 = tpu.memref_squeeze %dma_wait3A_412 : memref<1x1x128x64xf32, #tpu.memory_space<vmem>> -> memref<128x64xf32, #tpu.memory_space<vmem>>
      %dma_wait3A_414 = arith.constant 0 : i32
      %dma_wait3A_415 = tpu.memref_slice %arg8[%dma_wait3A_408, %dma_wait3A_409, %dma_wait3A_414] : memref<2x3x128xi32, #tpu.memory_space<vmem>> -> memref<1x1x128xi32, #tpu.memory_space<vmem>>
      %dma_wait3A_416 = tpu.memref_squeeze %dma_wait3A_415 : memref<1x1x128xi32, #tpu.memory_space<vmem>> -> memref<128xi32, #tpu.memory_space<vmem>>
      %dma_wait3A_417 = arith.constant 0 : i32
      %dma_wait3A_418 = arith.constant 0 : i32
      %dma_wait3A_419 = tpu.memref_slice %arg12[%dma_wait3A_417, %dma_wait3A_418] : memref<10240x64xf32, #tpu.memory_space<vmem_shared>> -> memref<10240x64xf32, #tpu.memory_space<vmem_shared>>
      tpu.wait_indirect_dma semaphore(%arg16 : memref<!tpu.dma_semaphore, #tpu.memory_space<semaphore_mem>>) src(%dma_wait3A_413 : memref<128x64xf32, #tpu.memory_space<vmem>>) dst(%dma_wait3A_419 : memref<10240x64xf32, #tpu.memory_space<vmem_shared>>)
      %dma_wait3A_420 = arith.constant 0 : i32
      %dma_wait3A_421 = arith.constant 0 : i32
      %dma_wait3A_422 = arith.constant 0 : i32
      %dma_wait3A_423 = tpu.memref_slice %arg8[%dma_wait3A_420, %dma_wait3A_421, %dma_wait3A_422] : memref<2x3x128xi32, #tpu.memory_space<vmem>> -> memref<1x1x128xi32, #tpu.memory_space<vmem>>
      %dma_wait3A_424 = tpu.memref_squeeze %dma_wait3A_423 : memref<1x1x128xi32, #tpu.memory_space<vmem>> -> memref<128xi32, #tpu.memory_space<vmem>>
      %dma_wait3A_425 = arith.constant 0 : i32
      %dma_wait3A_426 = arith.constant 0 : i32
      %dma_wait3A_427 = tpu.memref_slice %arg13[%dma_wait3A_425, %dma_wait3A_426] : memref<10240x16xf32, #tpu.memory_space<vmem_shared>> -> memref<10240x16xf32, #tpu.memory_space<vmem_shared>>
      tpu.wait_indirect_dma semaphore(%arg16 : memref<!tpu.dma_semaphore, #tpu.memory_space<semaphore_mem>>) src(%arg10 : memref<128x16xf32, #tpu.memory_space<vmem>>) dst(%dma_wait3A_427 : memref<10240x16xf32, #tpu.memory_space<vmem_shared>>)
      %dma_wait3A_428 = arith.constant 0 : i32
      %dma_wait3A_429 = arith.constant 1 : i32
      %dma_wait3A_430 = arith.constant 0 : i32
      %dma_wait3A_431 = arith.constant 1 : i32
      %dma_wait3A_432 = arith.constant 0 : i32
      %dma_wait3A_433 = arith.constant 0 : i32
      %dma_wait3A_434 = tpu.memref_slice %arg9[%dma_wait3A_428, %dma_wait3A_429, %dma_wait3A_432, %dma_wait3A_433] : memref<2x3x128x64xf32, #tpu.memory_space<vmem>> -> memref<1x1x128x64xf32, #tpu.memory_space<vmem>>
      %dma_wait3A_435 = tpu.memref_squeeze %dma_wait3A_434 : memref<1x1x128x64xf32, #tpu.memory_space<vmem>> -> memref<128x64xf32, #tpu.memory_space<vmem>>
      %dma_wait3A_436 = arith.constant 0 : i32
      %dma_wait3A_437 = tpu.memref_slice %arg8[%dma_wait3A_430, %dma_wait3A_431, %dma_wait3A_436] : memref<2x3x128xi32, #tpu.memory_space<vmem>> -> memref<1x1x128xi32, #tpu.memory_space<vmem>>
      %dma_wait3A_438 = tpu.memref_squeeze %dma_wait3A_437 : memref<1x1x128xi32, #tpu.memory_space<vmem>> -> memref<128xi32, #tpu.memory_space<vmem>>
      %dma_wait3A_439 = arith.constant 0 : i32
      %dma_wait3A_440 = arith.constant 0 : i32
      %dma_wait3A_441 = tpu.memref_slice %arg12[%dma_wait3A_439, %dma_wait3A_440] : memref<10240x64xf32, #tpu.memory_space<vmem_shared>> -> memref<10240x64xf32, #tpu.memory_space<vmem_shared>>
      tpu.wait_indirect_dma semaphore(%arg16 : memref<!tpu.dma_semaphore, #tpu.memory_space<semaphore_mem>>) src(%dma_wait3A_435 : memref<128x64xf32, #tpu.memory_space<vmem>>) dst(%dma_wait3A_441 : memref<10240x64xf32, #tpu.memory_space<vmem_shared>>)
      %dma_wait3A_442 = arith.constant 0 : i32
      %dma_wait3A_443 = arith.constant 1 : i32
      %dma_wait3A_444 = arith.constant 0 : i32
      %dma_wait3A_445 = tpu.memref_slice %arg8[%dma_wait3A_442, %dma_wait3A_443, %dma_wait3A_444] : memref<2x3x128xi32, #tpu.memory_space<vmem>> -> memref<1x1x128xi32, #tpu.memory_space<vmem>>
      %dma_wait3A_446 = tpu.memref_squeeze %dma_wait3A_445 : memref<1x1x128xi32, #tpu.memory_space<vmem>> -> memref<128xi32, #tpu.memory_space<vmem>>
      %dma_wait3A_447 = arith.constant 0 : i32
      %dma_wait3A_448 = arith.constant 0 : i32
      %dma_wait3A_449 = tpu.memref_slice %arg13[%dma_wait3A_447, %dma_wait3A_448] : memref<10240x16xf32, #tpu.memory_space<vmem_shared>> -> memref<10240x16xf32, #tpu.memory_space<vmem_shared>>
      tpu.wait_indirect_dma semaphore(%arg16 : memref<!tpu.dma_semaphore, #tpu.memory_space<semaphore_mem>>) src(%arg10 : memref<128x16xf32, #tpu.memory_space<vmem>>) dst(%dma_wait3A_449 : memref<10240x16xf32, #tpu.memory_space<vmem_shared>>)
      %dma_wait3A_450 = arith.constant 0 : i32
      %dma_wait3A_451 = arith.constant 2 : i32
      %dma_wait3A_452 = arith.constant 0 : i32
      %dma_wait3A_453 = arith.constant 2 : i32
      %dma_wait3A_454 = arith.constant 0 : i32
      %dma_wait3A_455 = arith.constant 0 : i32
      %dma_wait3A_456 = tpu.memref_slice %arg9[%dma_wait3A_450, %dma_wait3A_451, %dma_wait3A_454, %dma_wait3A_455] : memref<2x3x128x64xf32, #tpu.memory_space<vmem>> -> memref<1x1x128x64xf32, #tpu.memory_space<vmem>>
      %dma_wait3A_457 = tpu.memref_squeeze %dma_wait3A_456 : memref<1x1x128x64xf32, #tpu.memory_space<vmem>> -> memref<128x64xf32, #tpu.memory_space<vmem>>
      %dma_wait3A_458 = arith.constant 0 : i32
      %dma_wait3A_459 = tpu.memref_slice %arg8[%dma_wait3A_452, %dma_wait3A_453, %dma_wait3A_458] : memref<2x3x128xi32, #tpu.memory_space<vmem>> -> memref<1x1x128xi32, #tpu.memory_space<vmem>>
      %dma_wait3A_460 = tpu.memref_squeeze %dma_wait3A_459 : memref<1x1x128xi32, #tpu.memory_space<vmem>> -> memref<128xi32, #tpu.memory_space<vmem>>
      %dma_wait3A_461 = arith.constant 0 : i32
      %dma_wait3A_462 = arith.constant 0 : i32
      %dma_wait3A_463 = tpu.memref_slice %arg12[%dma_wait3A_461, %dma_wait3A_462] : memref<10240x64xf32, #tpu.memory_space<vmem_shared>> -> memref<10240x64xf32, #tpu.memory_space<vmem_shared>>
      tpu.wait_indirect_dma semaphore(%arg16 : memref<!tpu.dma_semaphore, #tpu.memory_space<semaphore_mem>>) src(%dma_wait3A_457 : memref<128x64xf32, #tpu.memory_space<vmem>>) dst(%dma_wait3A_463 : memref<10240x64xf32, #tpu.memory_space<vmem_shared>>)
      %dma_wait3A_464 = arith.constant 0 : i32
      %dma_wait3A_465 = arith.constant 2 : i32
      %dma_wait3A_466 = arith.constant 0 : i32
      %dma_wait3A_467 = tpu.memref_slice %arg8[%dma_wait3A_464, %dma_wait3A_465, %dma_wait3A_466] : memref<2x3x128xi32, #tpu.memory_space<vmem>> -> memref<1x1x128xi32, #tpu.memory_space<vmem>>
      %dma_wait3A_468 = tpu.memref_squeeze %dma_wait3A_467 : memref<1x1x128xi32, #tpu.memory_space<vmem>> -> memref<128xi32, #tpu.memory_space<vmem>>
      %dma_wait3A_469 = arith.constant 0 : i32
      %dma_wait3A_470 = arith.constant 0 : i32
      %dma_wait3A_471 = tpu.memref_slice %arg13[%dma_wait3A_469, %dma_wait3A_470] : memref<10240x16xf32, #tpu.memory_space<vmem_shared>> -> memref<10240x16xf32, #tpu.memory_space<vmem_shared>>
      tpu.wait_indirect_dma semaphore(%arg16 : memref<!tpu.dma_semaphore, #tpu.memory_space<semaphore_mem>>) src(%arg10 : memref<128x16xf32, #tpu.memory_space<vmem>>) dst(%dma_wait3A_471 : memref<10240x16xf32, #tpu.memory_space<vmem_shared>>)
      %lt3A_472 = arith.constant 25 : i32
      %lt3A_473 = arith.cmpi slt, %scan3A_198, %lt3A_472 : i32
      %convert_element_type3A_474 = arith.extui %lt3A_473 : i1 to i32
      %cond3A_475 = arith.constant 0 : i32
      %cond3A_476 = arith.cmpi ne, %convert_element_type3A_474, %cond3A_475 : i32
      scf.if %cond3A_476 {
        %mul3A_673 = arith.constant 2 : i32
        %mul3A_674 = arith.muli %mul3A_673, %scan3A_198 : i32
        %add3A_675 = arith.constant 2 : i32
        %add3A_676 = arith.addi %mul3A_674, %add3A_675 : i32
        %mul3A_677 = arith.constant 3 : i32
        %mul3A_678 = arith.muli %add3A_676, %mul3A_677 : i32
        %add3A_679 = arith.addi %add3A_52, %mul3A_678 : i32
        %dma_start3A_680 = arith.constant 0 : i32
        %dma_start3A_681 = arith.constant 0 : i32
        %dma_start3A_682 = arith.constant 0 : i32
        %dma_start3A_683 = tpu.memref_slice %arg7[%dma_start3A_680, %dma_start3A_681, %dma_start3A_682] : memref<2x3x128xi32, #tpu.memory_space<vmem>> -> memref<1x3x128xi32, #tpu.memory_space<vmem>>
        %dma_start3A_684 = tpu.memref_squeeze %dma_start3A_683 : memref<1x3x128xi32, #tpu.memory_space<vmem>> -> memref<3x128xi32, #tpu.memory_space<vmem>>
        %dma_start3A_685 = arith.constant 0 : i32
        %dma_start3A_686 = tpu.memref_slice %arg3[%add3A_679, %dma_start3A_685] : memref<2500x128xi32, #tpu.memory_space<hbm>> -> memref<3x128xi32, #tpu.memory_space<hbm>>
        %dma_start3A_687 = arith.constant 0 : i32
        %dma_start3A_688 = arith.constant 0 : i32
        %dma_start3A_689 = tpu.memref_slice %arg7[%dma_start3A_680, %dma_start3A_687, %dma_start3A_688] : memref<2x3x128xi32, #tpu.memory_space<vmem>> -> memref<1x3x128xi32, #tpu.memory_space<vmem>>
        %dma_start3A_690 = tpu.memref_squeeze %dma_start3A_689 : memref<1x3x128xi32, #tpu.memory_space<vmem>> -> memref<3x128xi32, #tpu.memory_space<vmem>>
        %dma_start3A_691 = arith.constant 0 : i32
        %dma_start3A_692 = tpu.memref_slice %arg3[%add3A_679, %dma_start3A_691] : memref<2500x128xi32, #tpu.memory_space<hbm>> -> memref<3x128xi32, #tpu.memory_space<hbm>>
        tpu.enqueue_dma source(%dma_start3A_692 : memref<3x128xi32, #tpu.memory_space<hbm>>) target(%dma_start3A_690 : memref<3x128xi32, #tpu.memory_space<vmem>>) target_semaphore(%arg18 : memref<!tpu.dma_semaphore, #tpu.memory_space<semaphore_mem>>)
        %dma_start3A_693 = arith.constant 0 : i32
        %dma_start3A_694 = arith.constant 0 : i32
        %dma_start3A_695 = arith.constant 0 : i32
        %dma_start3A_696 = tpu.memref_slice %arg8[%dma_start3A_693, %dma_start3A_694, %dma_start3A_695] : memref<2x3x128xi32, #tpu.memory_space<vmem>> -> memref<1x3x128xi32, #tpu.memory_space<vmem>>
        %dma_start3A_697 = tpu.memref_squeeze %dma_start3A_696 : memref<1x3x128xi32, #tpu.memory_space<vmem>> -> memref<3x128xi32, #tpu.memory_space<vmem>>
        %dma_start3A_698 = arith.constant 0 : i32
        %dma_start3A_699 = tpu.memref_slice %arg4[%add3A_679, %dma_start3A_698] : memref<2500x128xi32, #tpu.memory_space<hbm>> -> memref<3x128xi32, #tpu.memory_space<hbm>>
        %dma_start3A_700 = arith.constant 0 : i32
        %dma_start3A_701 = arith.constant 0 : i32
        %dma_start3A_702 = tpu.memref_slice %arg8[%dma_start3A_693, %dma_start3A_700, %dma_start3A_701] : memref<2x3x128xi32, #tpu.memory_space<vmem>> -> memref<1x3x128xi32, #tpu.memory_space<vmem>>
        %dma_start3A_703 = tpu.memref_squeeze %dma_start3A_702 : memref<1x3x128xi32, #tpu.memory_space<vmem>> -> memref<3x128xi32, #tpu.memory_space<vmem>>
        %dma_start3A_704 = arith.constant 0 : i32
        %dma_start3A_705 = tpu.memref_slice %arg4[%add3A_679, %dma_start3A_704] : memref<2500x128xi32, #tpu.memory_space<hbm>> -> memref<3x128xi32, #tpu.memory_space<hbm>>
        tpu.enqueue_dma source(%dma_start3A_705 : memref<3x128xi32, #tpu.memory_space<hbm>>) target(%dma_start3A_703 : memref<3x128xi32, #tpu.memory_space<vmem>>) target_semaphore(%arg18 : memref<!tpu.dma_semaphore, #tpu.memory_space<semaphore_mem>>)
      } else {
      }
      %dma_wait3A_477 = arith.constant 1 : i32
      %dma_wait3A_478 = arith.constant 0 : i32
      %dma_wait3A_479 = arith.constant 1 : i32
      %dma_wait3A_480 = arith.constant 0 : i32
      %dma_wait3A_481 = arith.constant 0 : i32
      %dma_wait3A_482 = arith.constant 0 : i32
      %dma_wait3A_483 = tpu.memref_slice %arg9[%dma_wait3A_479, %dma_wait3A_480, %dma_wait3A_481, %dma_wait3A_482] : memref<2x3x128x64xf32, #tpu.memory_space<vmem>> -> memref<1x1x128x64xf32, #tpu.memory_space<vmem>>
      %dma_wait3A_484 = tpu.memref_squeeze %dma_wait3A_483 : memref<1x1x128x64xf32, #tpu.memory_space<vmem>> -> memref<128x64xf32, #tpu.memory_space<vmem>>
      %dma_wait3A_485 = arith.constant 0 : i32
      %dma_wait3A_486 = tpu.memref_slice %arg7[%dma_wait3A_477, %dma_wait3A_478, %dma_wait3A_485] : memref<2x3x128xi32, #tpu.memory_space<vmem>> -> memref<1x1x128xi32, #tpu.memory_space<vmem>>
      %dma_wait3A_487 = tpu.memref_squeeze %dma_wait3A_486 : memref<1x1x128xi32, #tpu.memory_space<vmem>> -> memref<128xi32, #tpu.memory_space<vmem>>
      %dma_wait3A_488 = arith.constant 0 : i32
      %dma_wait3A_489 = arith.constant 0 : i32
      %dma_wait3A_490 = tpu.memref_slice %arg2[%arg0, %dma_wait3A_488, %dma_wait3A_489] : memref<2x10000x64xf32, #tpu.memory_space<hbm>> -> memref<1x10000x64xf32, #tpu.memory_space<hbm>>
      %dma_wait3A_491 = tpu.memref_squeeze %dma_wait3A_490 : memref<1x10000x64xf32, #tpu.memory_space<hbm>> -> memref<10000x64xf32, #tpu.memory_space<hbm>>
      %dma_wait3A_492 = arith.constant 0 : i32
      %dma_wait3A_493 = arith.constant 0 : i32
      %dma_wait3A_494 = tpu.memref_slice %dma_wait3A_491[%dma_wait3A_492, %dma_wait3A_493] : memref<10000x64xf32, #tpu.memory_space<hbm>> -> memref<10000x64xf32, #tpu.memory_space<hbm>>
      tpu.wait_indirect_dma semaphore(%arg15 : memref<!tpu.dma_semaphore, #tpu.memory_space<semaphore_mem>>) src(%dma_wait3A_494 : memref<10000x64xf32, #tpu.memory_space<hbm>>) dst(%dma_wait3A_484 : memref<128x64xf32, #tpu.memory_space<vmem>>)
      %dma_wait3A_495 = arith.constant 1 : i32
      %dma_wait3A_496 = arith.constant 1 : i32
      %dma_wait3A_497 = arith.constant 1 : i32
      %dma_wait3A_498 = arith.constant 1 : i32
      %dma_wait3A_499 = arith.constant 0 : i32
      %dma_wait3A_500 = arith.constant 0 : i32
      %dma_wait3A_501 = tpu.memref_slice %arg9[%dma_wait3A_497, %dma_wait3A_498, %dma_wait3A_499, %dma_wait3A_500] : memref<2x3x128x64xf32, #tpu.memory_space<vmem>> -> memref<1x1x128x64xf32, #tpu.memory_space<vmem>>
      %dma_wait3A_502 = tpu.memref_squeeze %dma_wait3A_501 : memref<1x1x128x64xf32, #tpu.memory_space<vmem>> -> memref<128x64xf32, #tpu.memory_space<vmem>>
      %dma_wait3A_503 = arith.constant 0 : i32
      %dma_wait3A_504 = tpu.memref_slice %arg7[%dma_wait3A_495, %dma_wait3A_496, %dma_wait3A_503] : memref<2x3x128xi32, #tpu.memory_space<vmem>> -> memref<1x1x128xi32, #tpu.memory_space<vmem>>
      %dma_wait3A_505 = tpu.memref_squeeze %dma_wait3A_504 : memref<1x1x128xi32, #tpu.memory_space<vmem>> -> memref<128xi32, #tpu.memory_space<vmem>>
      %dma_wait3A_506 = arith.constant 0 : i32
      %dma_wait3A_507 = arith.constant 0 : i32
      %dma_wait3A_508 = tpu.memref_slice %arg2[%arg0, %dma_wait3A_506, %dma_wait3A_507] : memref<2x10000x64xf32, #tpu.memory_space<hbm>> -> memref<1x10000x64xf32, #tpu.memory_space<hbm>>
      %dma_wait3A_509 = tpu.memref_squeeze %dma_wait3A_508 : memref<1x10000x64xf32, #tpu.memory_space<hbm>> -> memref<10000x64xf32, #tpu.memory_space<hbm>>
      %dma_wait3A_510 = arith.constant 0 : i32
      %dma_wait3A_511 = arith.constant 0 : i32
      %dma_wait3A_512 = tpu.memref_slice %dma_wait3A_509[%dma_wait3A_510, %dma_wait3A_511] : memref<10000x64xf32, #tpu.memory_space<hbm>> -> memref<10000x64xf32, #tpu.memory_space<hbm>>
      tpu.wait_indirect_dma semaphore(%arg15 : memref<!tpu.dma_semaphore, #tpu.memory_space<semaphore_mem>>) src(%dma_wait3A_512 : memref<10000x64xf32, #tpu.memory_space<hbm>>) dst(%dma_wait3A_502 : memref<128x64xf32, #tpu.memory_space<vmem>>)
      %dma_wait3A_513 = arith.constant 1 : i32
      %dma_wait3A_514 = arith.constant 2 : i32
      %dma_wait3A_515 = arith.constant 1 : i32
      %dma_wait3A_516 = arith.constant 2 : i32
      %dma_wait3A_517 = arith.constant 0 : i32
      %dma_wait3A_518 = arith.constant 0 : i32
      %dma_wait3A_519 = tpu.memref_slice %arg9[%dma_wait3A_515, %dma_wait3A_516, %dma_wait3A_517, %dma_wait3A_518] : memref<2x3x128x64xf32, #tpu.memory_space<vmem>> -> memref<1x1x128x64xf32, #tpu.memory_space<vmem>>
      %dma_wait3A_520 = tpu.memref_squeeze %dma_wait3A_519 : memref<1x1x128x64xf32, #tpu.memory_space<vmem>> -> memref<128x64xf32, #tpu.memory_space<vmem>>
      %dma_wait3A_521 = arith.constant 0 : i32
      %dma_wait3A_522 = tpu.memref_slice %arg7[%dma_wait3A_513, %dma_wait3A_514, %dma_wait3A_521] : memref<2x3x128xi32, #tpu.memory_space<vmem>> -> memref<1x1x128xi32, #tpu.memory_space<vmem>>
      %dma_wait3A_523 = tpu.memref_squeeze %dma_wait3A_522 : memref<1x1x128xi32, #tpu.memory_space<vmem>> -> memref<128xi32, #tpu.memory_space<vmem>>
      %dma_wait3A_524 = arith.constant 0 : i32
      %dma_wait3A_525 = arith.constant 0 : i32
      %dma_wait3A_526 = tpu.memref_slice %arg2[%arg0, %dma_wait3A_524, %dma_wait3A_525] : memref<2x10000x64xf32, #tpu.memory_space<hbm>> -> memref<1x10000x64xf32, #tpu.memory_space<hbm>>
      %dma_wait3A_527 = tpu.memref_squeeze %dma_wait3A_526 : memref<1x10000x64xf32, #tpu.memory_space<hbm>> -> memref<10000x64xf32, #tpu.memory_space<hbm>>
      %dma_wait3A_528 = arith.constant 0 : i32
      %dma_wait3A_529 = arith.constant 0 : i32
      %dma_wait3A_530 = tpu.memref_slice %dma_wait3A_527[%dma_wait3A_528, %dma_wait3A_529] : memref<10000x64xf32, #tpu.memory_space<hbm>> -> memref<10000x64xf32, #tpu.memory_space<hbm>>
      tpu.wait_indirect_dma semaphore(%arg15 : memref<!tpu.dma_semaphore, #tpu.memory_space<semaphore_mem>>) src(%dma_wait3A_530 : memref<10000x64xf32, #tpu.memory_space<hbm>>) dst(%dma_wait3A_520 : memref<128x64xf32, #tpu.memory_space<vmem>>)
      %dma_start3A_531 = arith.constant 1 : i32
      %dma_start3A_532 = arith.constant 0 : i32
      %dma_start3A_533 = arith.constant 1 : i32
      %dma_start3A_534 = arith.constant 0 : i32
      %dma_start3A_535 = arith.constant 0 : i32
      %dma_start3A_536 = arith.constant 0 : i32
      %dma_start3A_537 = tpu.memref_slice %arg9[%dma_start3A_531, %dma_start3A_532, %dma_start3A_535, %dma_start3A_536] : memref<2x3x128x64xf32, #tpu.memory_space<vmem>> -> memref<1x1x128x64xf32, #tpu.memory_space<vmem>>
      %dma_start3A_538 = tpu.memref_squeeze %dma_start3A_537 : memref<1x1x128x64xf32, #tpu.memory_space<vmem>> -> memref<128x64xf32, #tpu.memory_space<vmem>>
      %dma_start3A_539 = arith.constant 0 : i32
      %dma_start3A_540 = tpu.memref_slice %arg8[%dma_start3A_533, %dma_start3A_534, %dma_start3A_539] : memref<2x3x128xi32, #tpu.memory_space<vmem>> -> memref<1x1x128xi32, #tpu.memory_space<vmem>>
      %dma_start3A_541 = tpu.memref_squeeze %dma_start3A_540 : memref<1x1x128xi32, #tpu.memory_space<vmem>> -> memref<128xi32, #tpu.memory_space<vmem>>
      %dma_start3A_542 = arith.constant 0 : i32
      %dma_start3A_543 = arith.constant 0 : i32
      %dma_start3A_544 = tpu.memref_slice %arg12[%dma_start3A_542, %dma_start3A_543] : memref<10240x64xf32, #tpu.memory_space<vmem_shared>> -> memref<10240x64xf32, #tpu.memory_space<vmem_shared>>
      tpu.enqueue_indirect_dma source(%dma_start3A_538 : memref<128x64xf32, #tpu.memory_space<vmem>>) target(%dma_start3A_544 : memref<10240x64xf32, #tpu.memory_space<vmem_shared>>) offsets(%dma_start3A_541 : memref<128xi32, #tpu.memory_space<vmem>>) semaphore(%arg17 : memref<!tpu.dma_semaphore, #tpu.memory_space<semaphore_mem>>) {add = true}
      %dma_start3A_545 = arith.constant 1 : i32
      %dma_start3A_546 = arith.constant 0 : i32
      %dma_start3A_547 = arith.constant 0 : i32
      %dma_start3A_548 = tpu.memref_slice %arg8[%dma_start3A_545, %dma_start3A_546, %dma_start3A_547] : memref<2x3x128xi32, #tpu.memory_space<vmem>> -> memref<1x1x128xi32, #tpu.memory_space<vmem>>
      %dma_start3A_549 = tpu.memref_squeeze %dma_start3A_548 : memref<1x1x128xi32, #tpu.memory_space<vmem>> -> memref<128xi32, #tpu.memory_space<vmem>>
      %dma_start3A_550 = arith.constant 0 : i32
      %dma_start3A_551 = arith.constant 0 : i32
      %dma_start3A_552 = tpu.memref_slice %arg13[%dma_start3A_550, %dma_start3A_551] : memref<10240x16xf32, #tpu.memory_space<vmem_shared>> -> memref<10240x16xf32, #tpu.memory_space<vmem_shared>>
      tpu.enqueue_indirect_dma source(%arg10 : memref<128x16xf32, #tpu.memory_space<vmem>>) target(%dma_start3A_552 : memref<10240x16xf32, #tpu.memory_space<vmem_shared>>) offsets(%dma_start3A_549 : memref<128xi32, #tpu.memory_space<vmem>>) semaphore(%arg17 : memref<!tpu.dma_semaphore, #tpu.memory_space<semaphore_mem>>) {add = true}
      %dma_start3A_553 = arith.constant 1 : i32
      %dma_start3A_554 = arith.constant 1 : i32
      %dma_start3A_555 = arith.constant 1 : i32
      %dma_start3A_556 = arith.constant 1 : i32
      %dma_start3A_557 = arith.constant 0 : i32
      %dma_start3A_558 = arith.constant 0 : i32
      %dma_start3A_559 = tpu.memref_slice %arg9[%dma_start3A_553, %dma_start3A_554, %dma_start3A_557, %dma_start3A_558] : memref<2x3x128x64xf32, #tpu.memory_space<vmem>> -> memref<1x1x128x64xf32, #tpu.memory_space<vmem>>
      %dma_start3A_560 = tpu.memref_squeeze %dma_start3A_559 : memref<1x1x128x64xf32, #tpu.memory_space<vmem>> -> memref<128x64xf32, #tpu.memory_space<vmem>>
      %dma_start3A_561 = arith.constant 0 : i32
      %dma_start3A_562 = tpu.memref_slice %arg8[%dma_start3A_555, %dma_start3A_556, %dma_start3A_561] : memref<2x3x128xi32, #tpu.memory_space<vmem>> -> memref<1x1x128xi32, #tpu.memory_space<vmem>>
      %dma_start3A_563 = tpu.memref_squeeze %dma_start3A_562 : memref<1x1x128xi32, #tpu.memory_space<vmem>> -> memref<128xi32, #tpu.memory_space<vmem>>
      %dma_start3A_564 = arith.constant 0 : i32
      %dma_start3A_565 = arith.constant 0 : i32
      %dma_start3A_566 = tpu.memref_slice %arg12[%dma_start3A_564, %dma_start3A_565] : memref<10240x64xf32, #tpu.memory_space<vmem_shared>> -> memref<10240x64xf32, #tpu.memory_space<vmem_shared>>
      tpu.enqueue_indirect_dma source(%dma_start3A_560 : memref<128x64xf32, #tpu.memory_space<vmem>>) target(%dma_start3A_566 : memref<10240x64xf32, #tpu.memory_space<vmem_shared>>) offsets(%dma_start3A_563 : memref<128xi32, #tpu.memory_space<vmem>>) semaphore(%arg17 : memref<!tpu.dma_semaphore, #tpu.memory_space<semaphore_mem>>) {add = true}
      %dma_start3A_567 = arith.constant 1 : i32
      %dma_start3A_568 = arith.constant 1 : i32
      %dma_start3A_569 = arith.constant 0 : i32
      %dma_start3A_570 = tpu.memref_slice %arg8[%dma_start3A_567, %dma_start3A_568, %dma_start3A_569] : memref<2x3x128xi32, #tpu.memory_space<vmem>> -> memref<1x1x128xi32, #tpu.memory_space<vmem>>
      %dma_start3A_571 = tpu.memref_squeeze %dma_start3A_570 : memref<1x1x128xi32, #tpu.memory_space<vmem>> -> memref<128xi32, #tpu.memory_space<vmem>>
      %dma_start3A_572 = arith.constant 0 : i32
      %dma_start3A_573 = arith.constant 0 : i32
      %dma_start3A_574 = tpu.memref_slice %arg13[%dma_start3A_572, %dma_start3A_573] : memref<10240x16xf32, #tpu.memory_space<vmem_shared>> -> memref<10240x16xf32, #tpu.memory_space<vmem_shared>>
      tpu.enqueue_indirect_dma source(%arg10 : memref<128x16xf32, #tpu.memory_space<vmem>>) target(%dma_start3A_574 : memref<10240x16xf32, #tpu.memory_space<vmem_shared>>) offsets(%dma_start3A_571 : memref<128xi32, #tpu.memory_space<vmem>>) semaphore(%arg17 : memref<!tpu.dma_semaphore, #tpu.memory_space<semaphore_mem>>) {add = true}
      %dma_start3A_575 = arith.constant 1 : i32
      %dma_start3A_576 = arith.constant 2 : i32
      %dma_start3A_577 = arith.constant 1 : i32
      %dma_start3A_578 = arith.constant 2 : i32
      %dma_start3A_579 = arith.constant 0 : i32
      %dma_start3A_580 = arith.constant 0 : i32
      %dma_start3A_581 = tpu.memref_slice %arg9[%dma_start3A_575, %dma_start3A_576, %dma_start3A_579, %dma_start3A_580] : memref<2x3x128x64xf32, #tpu.memory_space<vmem>> -> memref<1x1x128x64xf32, #tpu.memory_space<vmem>>
      %dma_start3A_582 = tpu.memref_squeeze %dma_start3A_581 : memref<1x1x128x64xf32, #tpu.memory_space<vmem>> -> memref<128x64xf32, #tpu.memory_space<vmem>>
      %dma_start3A_583 = arith.constant 0 : i32
      %dma_start3A_584 = tpu.memref_slice %arg8[%dma_start3A_577, %dma_start3A_578, %dma_start3A_583] : memref<2x3x128xi32, #tpu.memory_space<vmem>> -> memref<1x1x128xi32, #tpu.memory_space<vmem>>
      %dma_start3A_585 = tpu.memref_squeeze %dma_start3A_584 : memref<1x1x128xi32, #tpu.memory_space<vmem>> -> memref<128xi32, #tpu.memory_space<vmem>>
      %dma_start3A_586 = arith.constant 0 : i32
      %dma_start3A_587 = arith.constant 0 : i32
      %dma_start3A_588 = tpu.memref_slice %arg12[%dma_start3A_586, %dma_start3A_587] : memref<10240x64xf32, #tpu.memory_space<vmem_shared>> -> memref<10240x64xf32, #tpu.memory_space<vmem_shared>>
      tpu.enqueue_indirect_dma source(%dma_start3A_582 : memref<128x64xf32, #tpu.memory_space<vmem>>) target(%dma_start3A_588 : memref<10240x64xf32, #tpu.memory_space<vmem_shared>>) offsets(%dma_start3A_585 : memref<128xi32, #tpu.memory_space<vmem>>) semaphore(%arg17 : memref<!tpu.dma_semaphore, #tpu.memory_space<semaphore_mem>>) {add = true}
      %dma_start3A_589 = arith.constant 1 : i32
      %dma_start3A_590 = arith.constant 2 : i32
      %dma_start3A_591 = arith.constant 0 : i32
      %dma_start3A_592 = tpu.memref_slice %arg8[%dma_start3A_589, %dma_start3A_590, %dma_start3A_591] : memref<2x3x128xi32, #tpu.memory_space<vmem>> -> memref<1x1x128xi32, #tpu.memory_space<vmem>>
      %dma_start3A_593 = tpu.memref_squeeze %dma_start3A_592 : memref<1x1x128xi32, #tpu.memory_space<vmem>> -> memref<128xi32, #tpu.memory_space<vmem>>
      %dma_start3A_594 = arith.constant 0 : i32
      %dma_start3A_595 = arith.constant 0 : i32
      %dma_start3A_596 = tpu.memref_slice %arg13[%dma_start3A_594, %dma_start3A_595] : memref<10240x16xf32, #tpu.memory_space<vmem_shared>> -> memref<10240x16xf32, #tpu.memory_space<vmem_shared>>
      tpu.enqueue_indirect_dma source(%arg10 : memref<128x16xf32, #tpu.memory_space<vmem>>) target(%dma_start3A_596 : memref<10240x16xf32, #tpu.memory_space<vmem_shared>>) offsets(%dma_start3A_593 : memref<128xi32, #tpu.memory_space<vmem>>) semaphore(%arg17 : memref<!tpu.dma_semaphore, #tpu.memory_space<semaphore_mem>>) {add = true}
      %lt3A_597 = arith.constant 25 : i32
      %lt3A_598 = arith.cmpi slt, %scan3A_198, %lt3A_597 : i32
      %convert_element_type3A_599 = arith.extui %lt3A_598 : i1 to i32
      %cond3A_600 = arith.constant 0 : i32
      %cond3A_601 = arith.cmpi ne, %convert_element_type3A_599, %cond3A_600 : i32
      scf.if %cond3A_601 {
        %mul3A_673 = arith.constant 2 : i32
        %mul3A_674 = arith.muli %mul3A_673, %scan3A_198 : i32
        %add3A_675 = arith.constant 2 : i32
        %add3A_676 = arith.addi %mul3A_674, %add3A_675 : i32
        %mul3A_677 = arith.constant 3 : i32
        %mul3A_678 = arith.muli %add3A_676, %mul3A_677 : i32
        %add3A_679 = arith.addi %add3A_52, %mul3A_678 : i32
        %dma_wait3A_680 = arith.constant 0 : i32
        %dma_wait3A_681 = arith.constant 0 : i32
        %dma_wait3A_682 = arith.constant 0 : i32
        %dma_wait3A_683 = tpu.memref_slice %arg7[%dma_wait3A_680, %dma_wait3A_681, %dma_wait3A_682] : memref<2x3x128xi32, #tpu.memory_space<vmem>> -> memref<1x3x128xi32, #tpu.memory_space<vmem>>
        %dma_wait3A_684 = tpu.memref_squeeze %dma_wait3A_683 : memref<1x3x128xi32, #tpu.memory_space<vmem>> -> memref<3x128xi32, #tpu.memory_space<vmem>>
        %dma_wait3A_685 = arith.constant 0 : i32
        %dma_wait3A_686 = tpu.memref_slice %arg3[%add3A_679, %dma_wait3A_685] : memref<2500x128xi32, #tpu.memory_space<hbm>> -> memref<3x128xi32, #tpu.memory_space<hbm>>
        %dma_wait3A_687 = arith.constant 0 : i32
        %dma_wait3A_688 = arith.constant 0 : i32
        %dma_wait3A_689 = tpu.memref_slice %arg7[%dma_wait3A_680, %dma_wait3A_687, %dma_wait3A_688] : memref<2x3x128xi32, #tpu.memory_space<vmem>> -> memref<1x3x128xi32, #tpu.memory_space<vmem>>
        %dma_wait3A_690 = tpu.memref_squeeze %dma_wait3A_689 : memref<1x3x128xi32, #tpu.memory_space<vmem>> -> memref<3x128xi32, #tpu.memory_space<vmem>>
        %dma_wait3A_691 = arith.constant 0 : i32
        %dma_wait3A_692 = tpu.memref_slice %arg3[%add3A_679, %dma_wait3A_691] : memref<2500x128xi32, #tpu.memory_space<hbm>> -> memref<3x128xi32, #tpu.memory_space<hbm>>
        tpu.wait_dma2 semaphore(%arg18 : memref<!tpu.dma_semaphore, #tpu.memory_space<semaphore_mem>>) src(%dma_wait3A_692 : memref<3x128xi32, #tpu.memory_space<hbm>>) dst(%dma_wait3A_690 : memref<3x128xi32, #tpu.memory_space<vmem>>)
        %dma_wait3A_693 = arith.constant 0 : i32
        %dma_wait3A_694 = arith.constant 0 : i32
        %dma_wait3A_695 = arith.constant 0 : i32
        %dma_wait3A_696 = tpu.memref_slice %arg8[%dma_wait3A_693, %dma_wait3A_694, %dma_wait3A_695] : memref<2x3x128xi32, #tpu.memory_space<vmem>> -> memref<1x3x128xi32, #tpu.memory_space<vmem>>
        %dma_wait3A_697 = tpu.memref_squeeze %dma_wait3A_696 : memref<1x3x128xi32, #tpu.memory_space<vmem>> -> memref<3x128xi32, #tpu.memory_space<vmem>>
        %dma_wait3A_698 = arith.constant 0 : i32
        %dma_wait3A_699 = tpu.memref_slice %arg4[%add3A_679, %dma_wait3A_698] : memref<2500x128xi32, #tpu.memory_space<hbm>> -> memref<3x128xi32, #tpu.memory_space<hbm>>
        %dma_wait3A_700 = arith.constant 0 : i32
        %dma_wait3A_701 = arith.constant 0 : i32
        %dma_wait3A_702 = tpu.memref_slice %arg8[%dma_wait3A_693, %dma_wait3A_700, %dma_wait3A_701] : memref<2x3x128xi32, #tpu.memory_space<vmem>> -> memref<1x3x128xi32, #tpu.memory_space<vmem>>
        %dma_wait3A_703 = tpu.memref_squeeze %dma_wait3A_702 : memref<1x3x128xi32, #tpu.memory_space<vmem>> -> memref<3x128xi32, #tpu.memory_space<vmem>>
        %dma_wait3A_704 = arith.constant 0 : i32
        %dma_wait3A_705 = tpu.memref_slice %arg4[%add3A_679, %dma_wait3A_704] : memref<2500x128xi32, #tpu.memory_space<hbm>> -> memref<3x128xi32, #tpu.memory_space<hbm>>
        tpu.wait_dma2 semaphore(%arg18 : memref<!tpu.dma_semaphore, #tpu.memory_space<semaphore_mem>>) src(%dma_wait3A_705 : memref<3x128xi32, #tpu.memory_space<hbm>>) dst(%dma_wait3A_703 : memref<3x128xi32, #tpu.memory_space<vmem>>)
        %dma_start3A_706 = arith.constant 0 : i32
        %dma_start3A_707 = arith.constant 0 : i32
        %dma_start3A_708 = arith.constant 0 : i32
        %dma_start3A_709 = arith.constant 0 : i32
        %dma_start3A_710 = arith.constant 0 : i32
        %dma_start3A_711 = arith.constant 0 : i32
        %dma_start3A_712 = tpu.memref_slice %arg9[%dma_start3A_708, %dma_start3A_709, %dma_start3A_710, %dma_start3A_711] : memref<2x3x128x64xf32, #tpu.memory_space<vmem>> -> memref<1x1x128x64xf32, #tpu.memory_space<vmem>>
        %dma_start3A_713 = tpu.memref_squeeze %dma_start3A_712 : memref<1x1x128x64xf32, #tpu.memory_space<vmem>> -> memref<128x64xf32, #tpu.memory_space<vmem>>
        %dma_start3A_714 = arith.constant 0 : i32
        %dma_start3A_715 = tpu.memref_slice %arg7[%dma_start3A_706, %dma_start3A_707, %dma_start3A_714] : memref<2x3x128xi32, #tpu.memory_space<vmem>> -> memref<1x1x128xi32, #tpu.memory_space<vmem>>
        %dma_start3A_716 = tpu.memref_squeeze %dma_start3A_715 : memref<1x1x128xi32, #tpu.memory_space<vmem>> -> memref<128xi32, #tpu.memory_space<vmem>>
        %dma_start3A_717 = arith.constant 0 : i32
        %dma_start3A_718 = arith.constant 0 : i32
        %dma_start3A_719 = tpu.memref_slice %arg2[%arg0, %dma_start3A_717, %dma_start3A_718] : memref<2x10000x64xf32, #tpu.memory_space<hbm>> -> memref<1x10000x64xf32, #tpu.memory_space<hbm>>
        %dma_start3A_720 = tpu.memref_squeeze %dma_start3A_719 : memref<1x10000x64xf32, #tpu.memory_space<hbm>> -> memref<10000x64xf32, #tpu.memory_space<hbm>>
        %dma_start3A_721 = arith.constant 0 : i32
        %dma_start3A_722 = arith.constant 0 : i32
        %dma_start3A_723 = tpu.memref_slice %dma_start3A_720[%dma_start3A_721, %dma_start3A_722] : memref<10000x64xf32, #tpu.memory_space<hbm>> -> memref<10000x64xf32, #tpu.memory_space<hbm>>
        tpu.enqueue_indirect_dma source(%dma_start3A_723 : memref<10000x64xf32, #tpu.memory_space<hbm>>) target(%dma_start3A_713 : memref<128x64xf32, #tpu.memory_space<vmem>>) offsets(%dma_start3A_716 : memref<128xi32, #tpu.memory_space<vmem>>) semaphore(%arg14 : memref<!tpu.dma_semaphore, #tpu.memory_space<semaphore_mem>>)
        %dma_start3A_724 = arith.constant 0 : i32
        %dma_start3A_725 = arith.constant 1 : i32
        %dma_start3A_726 = arith.constant 0 : i32
        %dma_start3A_727 = arith.constant 1 : i32
        %dma_start3A_728 = arith.constant 0 : i32
        %dma_start3A_729 = arith.constant 0 : i32
        %dma_start3A_730 = tpu.memref_slice %arg9[%dma_start3A_726, %dma_start3A_727, %dma_start3A_728, %dma_start3A_729] : memref<2x3x128x64xf32, #tpu.memory_space<vmem>> -> memref<1x1x128x64xf32, #tpu.memory_space<vmem>>
        %dma_start3A_731 = tpu.memref_squeeze %dma_start3A_730 : memref<1x1x128x64xf32, #tpu.memory_space<vmem>> -> memref<128x64xf32, #tpu.memory_space<vmem>>
        %dma_start3A_732 = arith.constant 0 : i32
        %dma_start3A_733 = tpu.memref_slice %arg7[%dma_start3A_724, %dma_start3A_725, %dma_start3A_732] : memref<2x3x128xi32, #tpu.memory_space<vmem>> -> memref<1x1x128xi32, #tpu.memory_space<vmem>>
        %dma_start3A_734 = tpu.memref_squeeze %dma_start3A_733 : memref<1x1x128xi32, #tpu.memory_space<vmem>> -> memref<128xi32, #tpu.memory_space<vmem>>
        %dma_start3A_735 = arith.constant 0 : i32
        %dma_start3A_736 = arith.constant 0 : i32
        %dma_start3A_737 = tpu.memref_slice %arg2[%arg0, %dma_start3A_735, %dma_start3A_736] : memref<2x10000x64xf32, #tpu.memory_space<hbm>> -> memref<1x10000x64xf32, #tpu.memory_space<hbm>>
        %dma_start3A_738 = tpu.memref_squeeze %dma_start3A_737 : memref<1x10000x64xf32, #tpu.memory_space<hbm>> -> memref<10000x64xf32, #tpu.memory_space<hbm>>
        %dma_start3A_739 = arith.constant 0 : i32
        %dma_start3A_740 = arith.constant 0 : i32
        %dma_start3A_741 = tpu.memref_slice %dma_start3A_738[%dma_start3A_739, %dma_start3A_740] : memref<10000x64xf32, #tpu.memory_space<hbm>> -> memref<10000x64xf32, #tpu.memory_space<hbm>>
        tpu.enqueue_indirect_dma source(%dma_start3A_741 : memref<10000x64xf32, #tpu.memory_space<hbm>>) target(%dma_start3A_731 : memref<128x64xf32, #tpu.memory_space<vmem>>) offsets(%dma_start3A_734 : memref<128xi32, #tpu.memory_space<vmem>>) semaphore(%arg14 : memref<!tpu.dma_semaphore, #tpu.memory_space<semaphore_mem>>)
        %dma_start3A_742 = arith.constant 0 : i32
        %dma_start3A_743 = arith.constant 2 : i32
        %dma_start3A_744 = arith.constant 0 : i32
        %dma_start3A_745 = arith.constant 2 : i32
        %dma_start3A_746 = arith.constant 0 : i32
        %dma_start3A_747 = arith.constant 0 : i32
        %dma_start3A_748 = tpu.memref_slice %arg9[%dma_start3A_744, %dma_start3A_745, %dma_start3A_746, %dma_start3A_747] : memref<2x3x128x64xf32, #tpu.memory_space<vmem>> -> memref<1x1x128x64xf32, #tpu.memory_space<vmem>>
        %dma_start3A_749 = tpu.memref_squeeze %dma_start3A_748 : memref<1x1x128x64xf32, #tpu.memory_space<vmem>> -> memref<128x64xf32, #tpu.memory_space<vmem>>
        %dma_start3A_750 = arith.constant 0 : i32
        %dma_start3A_751 = tpu.memref_slice %arg7[%dma_start3A_742, %dma_start3A_743, %dma_start3A_750] : memref<2x3x128xi32, #tpu.memory_space<vmem>> -> memref<1x1x128xi32, #tpu.memory_space<vmem>>
        %dma_start3A_752 = tpu.memref_squeeze %dma_start3A_751 : memref<1x1x128xi32, #tpu.memory_space<vmem>> -> memref<128xi32, #tpu.memory_space<vmem>>
        %dma_start3A_753 = arith.constant 0 : i32
        %dma_start3A_754 = arith.constant 0 : i32
        %dma_start3A_755 = tpu.memref_slice %arg2[%arg0, %dma_start3A_753, %dma_start3A_754] : memref<2x10000x64xf32, #tpu.memory_space<hbm>> -> memref<1x10000x64xf32, #tpu.memory_space<hbm>>
        %dma_start3A_756 = tpu.memref_squeeze %dma_start3A_755 : memref<1x10000x64xf32, #tpu.memory_space<hbm>> -> memref<10000x64xf32, #tpu.memory_space<hbm>>
        %dma_start3A_757 = arith.constant 0 : i32
        %dma_start3A_758 = arith.constant 0 : i32
        %dma_start3A_759 = tpu.memref_slice %dma_start3A_756[%dma_start3A_757, %dma_start3A_758] : memref<10000x64xf32, #tpu.memory_space<hbm>> -> memref<10000x64xf32, #tpu.memory_space<hbm>>
        tpu.enqueue_indirect_dma source(%dma_start3A_759 : memref<10000x64xf32, #tpu.memory_space<hbm>>) target(%dma_start3A_749 : memref<128x64xf32, #tpu.memory_space<vmem>>) offsets(%dma_start3A_752 : memref<128xi32, #tpu.memory_space<vmem>>) semaphore(%arg14 : memref<!tpu.dma_semaphore, #tpu.memory_space<semaphore_mem>>)
      } else {
      }
      %dma_wait3A_602 = arith.constant 1 : i32
      %dma_wait3A_603 = arith.constant 0 : i32
      %dma_wait3A_604 = arith.constant 1 : i32
      %dma_wait3A_605 = arith.constant 0 : i32
      %dma_wait3A_606 = arith.constant 0 : i32
      %dma_wait3A_607 = arith.constant 0 : i32
      %dma_wait3A_608 = tpu.memref_slice %arg9[%dma_wait3A_602, %dma_wait3A_603, %dma_wait3A_606, %dma_wait3A_607] : memref<2x3x128x64xf32, #tpu.memory_space<vmem>> -> memref<1x1x128x64xf32, #tpu.memory_space<vmem>>
      %dma_wait3A_609 = tpu.memref_squeeze %dma_wait3A_608 : memref<1x1x128x64xf32, #tpu.memory_space<vmem>> -> memref<128x64xf32, #tpu.memory_space<vmem>>
      %dma_wait3A_610 = arith.constant 0 : i32
      %dma_wait3A_611 = tpu.memref_slice %arg8[%dma_wait3A_604, %dma_wait3A_605, %dma_wait3A_610] : memref<2x3x128xi32, #tpu.memory_space<vmem>> -> memref<1x1x128xi32, #tpu.memory_space<vmem>>
      %dma_wait3A_612 = tpu.memref_squeeze %dma_wait3A_611 : memref<1x1x128xi32, #tpu.memory_space<vmem>> -> memref<128xi32, #tpu.memory_space<vmem>>
      %dma_wait3A_613 = arith.constant 0 : i32
      %dma_wait3A_614 = arith.constant 0 : i32
      %dma_wait3A_615 = tpu.memref_slice %arg12[%dma_wait3A_613, %dma_wait3A_614] : memref<10240x64xf32, #tpu.memory_space<vmem_shared>> -> memref<10240x64xf32, #tpu.memory_space<vmem_shared>>
      tpu.wait_indirect_dma semaphore(%arg17 : memref<!tpu.dma_semaphore, #tpu.memory_space<semaphore_mem>>) src(%dma_wait3A_609 : memref<128x64xf32, #tpu.memory_space<vmem>>) dst(%dma_wait3A_615 : memref<10240x64xf32, #tpu.memory_space<vmem_shared>>)
      %dma_wait3A_616 = arith.constant 1 : i32
      %dma_wait3A_617 = arith.constant 0 : i32
      %dma_wait3A_618 = arith.constant 0 : i32
      %dma_wait3A_619 = tpu.memref_slice %arg8[%dma_wait3A_616, %dma_wait3A_617, %dma_wait3A_618] : memref<2x3x128xi32, #tpu.memory_space<vmem>> -> memref<1x1x128xi32, #tpu.memory_space<vmem>>
      %dma_wait3A_620 = tpu.memref_squeeze %dma_wait3A_619 : memref<1x1x128xi32, #tpu.memory_space<vmem>> -> memref<128xi32, #tpu.memory_space<vmem>>
      %dma_wait3A_621 = arith.constant 0 : i32
      %dma_wait3A_622 = arith.constant 0 : i32
      %dma_wait3A_623 = tpu.memref_slice %arg13[%dma_wait3A_621, %dma_wait3A_622] : memref<10240x16xf32, #tpu.memory_space<vmem_shared>> -> memref<10240x16xf32, #tpu.memory_space<vmem_shared>>
      tpu.wait_indirect_dma semaphore(%arg17 : memref<!tpu.dma_semaphore, #tpu.memory_space<semaphore_mem>>) src(%arg10 : memref<128x16xf32, #tpu.memory_space<vmem>>) dst(%dma_wait3A_623 : memref<10240x16xf32, #tpu.memory_space<vmem_shared>>)
      %dma_wait3A_624 = arith.constant 1 : i32
      %dma_wait3A_625 = arith.constant 1 : i32
      %dma_wait3A_626 = arith.constant 1 : i32
      %dma_wait3A_627 = arith.constant 1 : i32
      %dma_wait3A_628 = arith.constant 0 : i32
      %dma_wait3A_629 = arith.constant 0 : i32
      %dma_wait3A_630 = tpu.memref_slice %arg9[%dma_wait3A_624, %dma_wait3A_625, %dma_wait3A_628, %dma_wait3A_629] : memref<2x3x128x64xf32, #tpu.memory_space<vmem>> -> memref<1x1x128x64xf32, #tpu.memory_space<vmem>>
      %dma_wait3A_631 = tpu.memref_squeeze %dma_wait3A_630 : memref<1x1x128x64xf32, #tpu.memory_space<vmem>> -> memref<128x64xf32, #tpu.memory_space<vmem>>
      %dma_wait3A_632 = arith.constant 0 : i32
      %dma_wait3A_633 = tpu.memref_slice %arg8[%dma_wait3A_626, %dma_wait3A_627, %dma_wait3A_632] : memref<2x3x128xi32, #tpu.memory_space<vmem>> -> memref<1x1x128xi32, #tpu.memory_space<vmem>>
      %dma_wait3A_634 = tpu.memref_squeeze %dma_wait3A_633 : memref<1x1x128xi32, #tpu.memory_space<vmem>> -> memref<128xi32, #tpu.memory_space<vmem>>
      %dma_wait3A_635 = arith.constant 0 : i32
      %dma_wait3A_636 = arith.constant 0 : i32
      %dma_wait3A_637 = tpu.memref_slice %arg12[%dma_wait3A_635, %dma_wait3A_636] : memref<10240x64xf32, #tpu.memory_space<vmem_shared>> -> memref<10240x64xf32, #tpu.memory_space<vmem_shared>>
      tpu.wait_indirect_dma semaphore(%arg17 : memref<!tpu.dma_semaphore, #tpu.memory_space<semaphore_mem>>) src(%dma_wait3A_631 : memref<128x64xf32, #tpu.memory_space<vmem>>) dst(%dma_wait3A_637 : memref<10240x64xf32, #tpu.memory_space<vmem_shared>>)
      %dma_wait3A_638 = arith.constant 1 : i32
      %dma_wait3A_639 = arith.constant 1 : i32
      %dma_wait3A_640 = arith.constant 0 : i32
      %dma_wait3A_641 = tpu.memref_slice %arg8[%dma_wait3A_638, %dma_wait3A_639, %dma_wait3A_640] : memref<2x3x128xi32, #tpu.memory_space<vmem>> -> memref<1x1x128xi32, #tpu.memory_space<vmem>>
      %dma_wait3A_642 = tpu.memref_squeeze %dma_wait3A_641 : memref<1x1x128xi32, #tpu.memory_space<vmem>> -> memref<128xi32, #tpu.memory_space<vmem>>
      %dma_wait3A_643 = arith.constant 0 : i32
      %dma_wait3A_644 = arith.constant 0 : i32
      %dma_wait3A_645 = tpu.memref_slice %arg13[%dma_wait3A_643, %dma_wait3A_644] : memref<10240x16xf32, #tpu.memory_space<vmem_shared>> -> memref<10240x16xf32, #tpu.memory_space<vmem_shared>>
      tpu.wait_indirect_dma semaphore(%arg17 : memref<!tpu.dma_semaphore, #tpu.memory_space<semaphore_mem>>) src(%arg10 : memref<128x16xf32, #tpu.memory_space<vmem>>) dst(%dma_wait3A_645 : memref<10240x16xf32, #tpu.memory_space<vmem_shared>>)
      %dma_wait3A_646 = arith.constant 1 : i32
      %dma_wait3A_647 = arith.constant 2 : i32
      %dma_wait3A_648 = arith.constant 1 : i32
      %dma_wait3A_649 = arith.constant 2 : i32
      %dma_wait3A_650 = arith.constant 0 : i32
      %dma_wait3A_651 = arith.constant 0 : i32
      %dma_wait3A_652 = tpu.memref_slice %arg9[%dma_wait3A_646, %dma_wait3A_647, %dma_wait3A_650, %dma_wait3A_651] : memref<2x3x128x64xf32, #tpu.memory_space<vmem>> -> memref<1x1x128x64xf32, #tpu.memory_space<vmem>>
      %dma_wait3A_653 = tpu.memref_squeeze %dma_wait3A_652 : memref<1x1x128x64xf32, #tpu.memory_space<vmem>> -> memref<128x64xf32, #tpu.memory_space<vmem>>
      %dma_wait3A_654 = arith.constant 0 : i32
      %dma_wait3A_655 = tpu.memref_slice %arg8[%dma_wait3A_648, %dma_wait3A_649, %dma_wait3A_654] : memref<2x3x128xi32, #tpu.memory_space<vmem>> -> memref<1x1x128xi32, #tpu.memory_space<vmem>>
      %dma_wait3A_656 = tpu.memref_squeeze %dma_wait3A_655 : memref<1x1x128xi32, #tpu.memory_space<vmem>> -> memref<128xi32, #tpu.memory_space<vmem>>
      %dma_wait3A_657 = arith.constant 0 : i32
      %dma_wait3A_658 = arith.constant 0 : i32
      %dma_wait3A_659 = tpu.memref_slice %arg12[%dma_wait3A_657, %dma_wait3A_658] : memref<10240x64xf32, #tpu.memory_space<vmem_shared>> -> memref<10240x64xf32, #tpu.memory_space<vmem_shared>>
      tpu.wait_indirect_dma semaphore(%arg17 : memref<!tpu.dma_semaphore, #tpu.memory_space<semaphore_mem>>) src(%dma_wait3A_653 : memref<128x64xf32, #tpu.memory_space<vmem>>) dst(%dma_wait3A_659 : memref<10240x64xf32, #tpu.memory_space<vmem_shared>>)
      %dma_wait3A_660 = arith.constant 1 : i32
      %dma_wait3A_661 = arith.constant 2 : i32
      %dma_wait3A_662 = arith.constant 0 : i32
      %dma_wait3A_663 = tpu.memref_slice %arg8[%dma_wait3A_660, %dma_wait3A_661, %dma_wait3A_662] : memref<2x3x128xi32, #tpu.memory_space<vmem>> -> memref<1x1x128xi32, #tpu.memory_space<vmem>>
      %dma_wait3A_664 = tpu.memref_squeeze %dma_wait3A_663 : memref<1x1x128xi32, #tpu.memory_space<vmem>> -> memref<128xi32, #tpu.memory_space<vmem>>
      %dma_wait3A_665 = arith.constant 0 : i32
      %dma_wait3A_666 = arith.constant 0 : i32
      %dma_wait3A_667 = tpu.memref_slice %arg13[%dma_wait3A_665, %dma_wait3A_666] : memref<10240x16xf32, #tpu.memory_space<vmem_shared>> -> memref<10240x16xf32, #tpu.memory_space<vmem_shared>>
      tpu.wait_indirect_dma semaphore(%arg17 : memref<!tpu.dma_semaphore, #tpu.memory_space<semaphore_mem>>) src(%arg10 : memref<128x16xf32, #tpu.memory_space<vmem>>) dst(%dma_wait3A_667 : memref<10240x16xf32, #tpu.memory_space<vmem_shared>>)
      %lt3A_668 = arith.constant 25 : i32
      %lt3A_669 = arith.cmpi slt, %scan3A_198, %lt3A_668 : i32
      %convert_element_type3A_670 = arith.extui %lt3A_669 : i1 to i32
      %cond3A_671 = arith.constant 0 : i32
      %cond3A_672 = arith.cmpi ne, %convert_element_type3A_670, %cond3A_671 : i32
      scf.if %cond3A_672 {
        %mul3A_673 = arith.constant 2 : i32
        %mul3A_674 = arith.muli %mul3A_673, %scan3A_198 : i32
        %add3A_675 = arith.constant 3 : i32
        %add3A_676 = arith.addi %mul3A_674, %add3A_675 : i32
        %mul3A_677 = arith.constant 3 : i32
        %mul3A_678 = arith.muli %add3A_676, %mul3A_677 : i32
        %add3A_679 = arith.addi %add3A_52, %mul3A_678 : i32
        %dma_start3A_680 = arith.constant 1 : i32
        %dma_start3A_681 = arith.constant 0 : i32
        %dma_start3A_682 = arith.constant 0 : i32
        %dma_start3A_683 = tpu.memref_slice %arg7[%dma_start3A_680, %dma_start3A_681, %dma_start3A_682] : memref<2x3x128xi32, #tpu.memory_space<vmem>> -> memref<1x3x128xi32, #tpu.memory_space<vmem>>
        %dma_start3A_684 = tpu.memref_squeeze %dma_start3A_683 : memref<1x3x128xi32, #tpu.memory_space<vmem>> -> memref<3x128xi32, #tpu.memory_space<vmem>>
        %dma_start3A_685 = arith.constant 0 : i32
        %dma_start3A_686 = tpu.memref_slice %arg3[%add3A_679, %dma_start3A_685] : memref<2500x128xi32, #tpu.memory_space<hbm>> -> memref<3x128xi32, #tpu.memory_space<hbm>>
        %dma_start3A_687 = arith.constant 0 : i32
        %dma_start3A_688 = arith.constant 0 : i32
        %dma_start3A_689 = tpu.memref_slice %arg7[%dma_start3A_680, %dma_start3A_687, %dma_start3A_688] : memref<2x3x128xi32, #tpu.memory_space<vmem>> -> memref<1x3x128xi32, #tpu.memory_space<vmem>>
        %dma_start3A_690 = tpu.memref_squeeze %dma_start3A_689 : memref<1x3x128xi32, #tpu.memory_space<vmem>> -> memref<3x128xi32, #tpu.memory_space<vmem>>
        %dma_start3A_691 = arith.constant 0 : i32
        %dma_start3A_692 = tpu.memref_slice %arg3[%add3A_679, %dma_start3A_691] : memref<2500x128xi32, #tpu.memory_space<hbm>> -> memref<3x128xi32, #tpu.memory_space<hbm>>
        tpu.enqueue_dma source(%dma_start3A_692 : memref<3x128xi32, #tpu.memory_space<hbm>>) target(%dma_start3A_690 : memref<3x128xi32, #tpu.memory_space<vmem>>) target_semaphore(%arg19 : memref<!tpu.dma_semaphore, #tpu.memory_space<semaphore_mem>>)
        %dma_start3A_693 = arith.constant 1 : i32
        %dma_start3A_694 = arith.constant 0 : i32
        %dma_start3A_695 = arith.constant 0 : i32
        %dma_start3A_696 = tpu.memref_slice %arg8[%dma_start3A_693, %dma_start3A_694, %dma_start3A_695] : memref<2x3x128xi32, #tpu.memory_space<vmem>> -> memref<1x3x128xi32, #tpu.memory_space<vmem>>
        %dma_start3A_697 = tpu.memref_squeeze %dma_start3A_696 : memref<1x3x128xi32, #tpu.memory_space<vmem>> -> memref<3x128xi32, #tpu.memory_space<vmem>>
        %dma_start3A_698 = arith.constant 0 : i32
        %dma_start3A_699 = tpu.memref_slice %arg4[%add3A_679, %dma_start3A_698] : memref<2500x128xi32, #tpu.memory_space<hbm>> -> memref<3x128xi32, #tpu.memory_space<hbm>>
        %dma_start3A_700 = arith.constant 0 : i32
        %dma_start3A_701 = arith.constant 0 : i32
        %dma_start3A_702 = tpu.memref_slice %arg8[%dma_start3A_693, %dma_start3A_700, %dma_start3A_701] : memref<2x3x128xi32, #tpu.memory_space<vmem>> -> memref<1x3x128xi32, #tpu.memory_space<vmem>>
        %dma_start3A_703 = tpu.memref_squeeze %dma_start3A_702 : memref<1x3x128xi32, #tpu.memory_space<vmem>> -> memref<3x128xi32, #tpu.memory_space<vmem>>
        %dma_start3A_704 = arith.constant 0 : i32
        %dma_start3A_705 = tpu.memref_slice %arg4[%add3A_679, %dma_start3A_704] : memref<2500x128xi32, #tpu.memory_space<hbm>> -> memref<3x128xi32, #tpu.memory_space<hbm>>
        tpu.enqueue_dma source(%dma_start3A_705 : memref<3x128xi32, #tpu.memory_space<hbm>>) target(%dma_start3A_703 : memref<3x128xi32, #tpu.memory_space<vmem>>) target_semaphore(%arg19 : memref<!tpu.dma_semaphore, #tpu.memory_space<semaphore_mem>>)
      } else {
      }
    }
    %scan3A_194 = arith.constant 26 : i32
    %lt3A = arith.constant 4 : i32
    %lt3A_195 = arith.cmpi slt, %arg1, %lt3A : i32
    %convert_element_type3A = arith.extui %lt3A_195 : i1 to i32
    %cond3A = arith.constant 0 : i32
    %cond3A_196 = arith.cmpi ne, %convert_element_type3A, %cond3A : i32
    scf.if %cond3A_196 {
      %add3A_198 = arith.constant 156 : i32
      %add3A_199 = arith.addi %add3A_52, %add3A_198 : i32
      %run_scoped3A_200 = arith.constant 0 : i32
      "tpu.region"() ({
        %run_scoped3A_244 = tpu.sem_alloc : memref<!tpu.dma_semaphore, #tpu.memory_space<semaphore_mem>>
        %dma_start3A_245 = arith.constant 0 : i32
        %dma_start3A_246 = arith.constant 0 : i32
        %dma_start3A_247 = tpu.memref_slice %arg7[%run_scoped3A_200, %dma_start3A_245, %dma_start3A_246] : memref<2x3x128xi32, #tpu.memory_space<vmem>> -> memref<1x1x128xi32, #tpu.memory_space<vmem>>
        %dma_start3A_248 = tpu.memref_squeeze %dma_start3A_247 : memref<1x1x128xi32, #tpu.memory_space<vmem>> -> memref<1x128xi32, #tpu.memory_space<vmem>>
        %dma_start3A_249 = arith.constant 0 : i32
        %dma_start3A_250 = tpu.memref_slice %arg3[%add3A_199, %dma_start3A_249] : memref<2500x128xi32, #tpu.memory_space<hbm>> -> memref<1x128xi32, #tpu.memory_space<hbm>>
        %dma_start3A_251 = arith.constant 0 : i32
        %dma_start3A_252 = arith.constant 0 : i32
        %dma_start3A_253 = tpu.memref_slice %arg7[%run_scoped3A_200, %dma_start3A_251, %dma_start3A_252] : memref<2x3x128xi32, #tpu.memory_space<vmem>> -> memref<1x1x128xi32, #tpu.memory_space<vmem>>
        %dma_start3A_254 = tpu.memref_squeeze %dma_start3A_253 : memref<1x1x128xi32, #tpu.memory_space<vmem>> -> memref<1x128xi32, #tpu.memory_space<vmem>>
        %dma_start3A_255 = arith.constant 0 : i32
        %dma_start3A_256 = tpu.memref_slice %arg3[%add3A_199, %dma_start3A_255] : memref<2500x128xi32, #tpu.memory_space<hbm>> -> memref<1x128xi32, #tpu.memory_space<hbm>>
        tpu.enqueue_dma source(%dma_start3A_256 : memref<1x128xi32, #tpu.memory_space<hbm>>) target(%dma_start3A_254 : memref<1x128xi32, #tpu.memory_space<vmem>>) target_semaphore(%run_scoped3A_244 : memref<!tpu.dma_semaphore, #tpu.memory_space<semaphore_mem>>)
        %dma_wait3A_257 = arith.constant 0 : i32
        %dma_wait3A_258 = arith.constant 0 : i32
        %dma_wait3A_259 = tpu.memref_slice %arg7[%run_scoped3A_200, %dma_wait3A_257, %dma_wait3A_258] : memref<2x3x128xi32, #tpu.memory_space<vmem>> -> memref<1x1x128xi32, #tpu.memory_space<vmem>>
        %dma_wait3A_260 = tpu.memref_squeeze %dma_wait3A_259 : memref<1x1x128xi32, #tpu.memory_space<vmem>> -> memref<1x128xi32, #tpu.memory_space<vmem>>
        %dma_wait3A_261 = arith.constant 0 : i32
        %dma_wait3A_262 = tpu.memref_slice %arg3[%add3A_199, %dma_wait3A_261] : memref<2500x128xi32, #tpu.memory_space<hbm>> -> memref<1x128xi32, #tpu.memory_space<hbm>>
        %dma_wait3A_263 = arith.constant 0 : i32
        %dma_wait3A_264 = arith.constant 0 : i32
        %dma_wait3A_265 = tpu.memref_slice %arg7[%run_scoped3A_200, %dma_wait3A_263, %dma_wait3A_264] : memref<2x3x128xi32, #tpu.memory_space<vmem>> -> memref<1x1x128xi32, #tpu.memory_space<vmem>>
        %dma_wait3A_266 = tpu.memref_squeeze %dma_wait3A_265 : memref<1x1x128xi32, #tpu.memory_space<vmem>> -> memref<1x128xi32, #tpu.memory_space<vmem>>
        %dma_wait3A_267 = arith.constant 0 : i32
        %dma_wait3A_268 = tpu.memref_slice %arg3[%add3A_199, %dma_wait3A_267] : memref<2500x128xi32, #tpu.memory_space<hbm>> -> memref<1x128xi32, #tpu.memory_space<hbm>>
        tpu.wait_dma2 semaphore(%run_scoped3A_244 : memref<!tpu.dma_semaphore, #tpu.memory_space<semaphore_mem>>) src(%dma_wait3A_268 : memref<1x128xi32, #tpu.memory_space<hbm>>) dst(%dma_wait3A_266 : memref<1x128xi32, #tpu.memory_space<vmem>>)
        tpu.yield
      }) : () -> ()
      %run_scoped3A_201 = arith.constant 0 : i32
      "tpu.region"() ({
        %run_scoped3A_244 = tpu.sem_alloc : memref<!tpu.dma_semaphore, #tpu.memory_space<semaphore_mem>>
        %dma_start3A_245 = arith.constant 0 : i32
        %dma_start3A_246 = arith.constant 0 : i32
        %dma_start3A_247 = tpu.memref_slice %arg8[%run_scoped3A_201, %dma_start3A_245, %dma_start3A_246] : memref<2x3x128xi32, #tpu.memory_space<vmem>> -> memref<1x1x128xi32, #tpu.memory_space<vmem>>
        %dma_start3A_248 = tpu.memref_squeeze %dma_start3A_247 : memref<1x1x128xi32, #tpu.memory_space<vmem>> -> memref<1x128xi32, #tpu.memory_space<vmem>>
        %dma_start3A_249 = arith.constant 0 : i32
        %dma_start3A_250 = tpu.memref_slice %arg4[%add3A_199, %dma_start3A_249] : memref<2500x128xi32, #tpu.memory_space<hbm>> -> memref<1x128xi32, #tpu.memory_space<hbm>>
        %dma_start3A_251 = arith.constant 0 : i32
        %dma_start3A_252 = arith.constant 0 : i32
        %dma_start3A_253 = tpu.memref_slice %arg8[%run_scoped3A_201, %dma_start3A_251, %dma_start3A_252] : memref<2x3x128xi32, #tpu.memory_space<vmem>> -> memref<1x1x128xi32, #tpu.memory_space<vmem>>
        %dma_start3A_254 = tpu.memref_squeeze %dma_start3A_253 : memref<1x1x128xi32, #tpu.memory_space<vmem>> -> memref<1x128xi32, #tpu.memory_space<vmem>>
        %dma_start3A_255 = arith.constant 0 : i32
        %dma_start3A_256 = tpu.memref_slice %arg4[%add3A_199, %dma_start3A_255] : memref<2500x128xi32, #tpu.memory_space<hbm>> -> memref<1x128xi32, #tpu.memory_space<hbm>>
        tpu.enqueue_dma source(%dma_start3A_256 : memref<1x128xi32, #tpu.memory_space<hbm>>) target(%dma_start3A_254 : memref<1x128xi32, #tpu.memory_space<vmem>>) target_semaphore(%run_scoped3A_244 : memref<!tpu.dma_semaphore, #tpu.memory_space<semaphore_mem>>)
        %dma_wait3A_257 = arith.constant 0 : i32
        %dma_wait3A_258 = arith.constant 0 : i32
        %dma_wait3A_259 = tpu.memref_slice %arg8[%run_scoped3A_201, %dma_wait3A_257, %dma_wait3A_258] : memref<2x3x128xi32, #tpu.memory_space<vmem>> -> memref<1x1x128xi32, #tpu.memory_space<vmem>>
        %dma_wait3A_260 = tpu.memref_squeeze %dma_wait3A_259 : memref<1x1x128xi32, #tpu.memory_space<vmem>> -> memref<1x128xi32, #tpu.memory_space<vmem>>
        %dma_wait3A_261 = arith.constant 0 : i32
        %dma_wait3A_262 = tpu.memref_slice %arg4[%add3A_199, %dma_wait3A_261] : memref<2500x128xi32, #tpu.memory_space<hbm>> -> memref<1x128xi32, #tpu.memory_space<hbm>>
        %dma_wait3A_263 = arith.constant 0 : i32
        %dma_wait3A_264 = arith.constant 0 : i32
        %dma_wait3A_265 = tpu.memref_slice %arg8[%run_scoped3A_201, %dma_wait3A_263, %dma_wait3A_264] : memref<2x3x128xi32, #tpu.memory_space<vmem>> -> memref<1x1x128xi32, #tpu.memory_space<vmem>>
        %dma_wait3A_266 = tpu.memref_squeeze %dma_wait3A_265 : memref<1x1x128xi32, #tpu.memory_space<vmem>> -> memref<1x128xi32, #tpu.memory_space<vmem>>
        %dma_wait3A_267 = arith.constant 0 : i32
        %dma_wait3A_268 = tpu.memref_slice %arg4[%add3A_199, %dma_wait3A_267] : memref<2500x128xi32, #tpu.memory_space<hbm>> -> memref<1x128xi32, #tpu.memory_space<hbm>>
        tpu.wait_dma2 semaphore(%run_scoped3A_244 : memref<!tpu.dma_semaphore, #tpu.memory_space<semaphore_mem>>) src(%dma_wait3A_268 : memref<1x128xi32, #tpu.memory_space<hbm>>) dst(%dma_wait3A_266 : memref<1x128xi32, #tpu.memory_space<vmem>>)
        tpu.yield
      }) : () -> ()
      %dma_start3A_202 = arith.constant 0 : i32
      %dma_start3A_203 = arith.constant 0 : i32
      %dma_start3A_204 = arith.constant 0 : i32
      %dma_start3A_205 = arith.constant 0 : i32
      %dma_start3A_206 = arith.constant 0 : i32
      %dma_start3A_207 = arith.constant 0 : i32
      %dma_start3A_208 = tpu.memref_slice %arg9[%dma_start3A_204, %dma_start3A_205, %dma_start3A_206, %dma_start3A_207] : memref<2x3x128x64xf32, #tpu.memory_space<vmem>> -> memref<1x1x128x64xf32, #tpu.memory_space<vmem>>
      %dma_start3A_209 = tpu.memref_squeeze %dma_start3A_208 : memref<1x1x128x64xf32, #tpu.memory_space<vmem>> -> memref<128x64xf32, #tpu.memory_space<vmem>>
      %dma_start3A_210 = arith.constant 0 : i32
      %dma_start3A_211 = tpu.memref_slice %arg7[%dma_start3A_202, %dma_start3A_203, %dma_start3A_210] : memref<2x3x128xi32, #tpu.memory_space<vmem>> -> memref<1x1x128xi32, #tpu.memory_space<vmem>>
      %dma_start3A_212 = tpu.memref_squeeze %dma_start3A_211 : memref<1x1x128xi32, #tpu.memory_space<vmem>> -> memref<128xi32, #tpu.memory_space<vmem>>
      %dma_start3A_213 = arith.constant 0 : i32
      %dma_start3A_214 = arith.constant 0 : i32
      %dma_start3A_215 = tpu.memref_slice %arg2[%arg0, %dma_start3A_213, %dma_start3A_214] : memref<2x10000x64xf32, #tpu.memory_space<hbm>> -> memref<1x10000x64xf32, #tpu.memory_space<hbm>>
      %dma_start3A_216 = tpu.memref_squeeze %dma_start3A_215 : memref<1x10000x64xf32, #tpu.memory_space<hbm>> -> memref<10000x64xf32, #tpu.memory_space<hbm>>
      %dma_start3A_217 = arith.constant 0 : i32
      %dma_start3A_218 = arith.constant 0 : i32
      %dma_start3A_219 = tpu.memref_slice %dma_start3A_216[%dma_start3A_217, %dma_start3A_218] : memref<10000x64xf32, #tpu.memory_space<hbm>> -> memref<10000x64xf32, #tpu.memory_space<hbm>>
      tpu.enqueue_indirect_dma source(%dma_start3A_219 : memref<10000x64xf32, #tpu.memory_space<hbm>>) target(%dma_start3A_209 : memref<128x64xf32, #tpu.memory_space<vmem>>) offsets(%dma_start3A_212 : memref<128xi32, #tpu.memory_space<vmem>>) semaphore(%arg14 : memref<!tpu.dma_semaphore, #tpu.memory_space<semaphore_mem>>)
      %dma_wait3A_220 = arith.constant 0 : i32
      %dma_wait3A_221 = arith.constant 0 : i32
      %dma_wait3A_222 = arith.constant 0 : i32
      %dma_wait3A_223 = arith.constant 0 : i32
      %dma_wait3A_224 = arith.constant 0 : i32
      %dma_wait3A_225 = arith.constant 0 : i32
      %dma_wait3A_226 = tpu.memref_slice %arg9[%dma_wait3A_222, %dma_wait3A_223, %dma_wait3A_224, %dma_wait3A_225] : memref<2x3x128x64xf32, #tpu.memory_space<vmem>> -> memref<1x1x128x64xf32, #tpu.memory_space<vmem>>
      %dma_wait3A_227 = tpu.memref_squeeze %dma_wait3A_226 : memref<1x1x128x64xf32, #tpu.memory_space<vmem>> -> memref<128x64xf32, #tpu.memory_space<vmem>>
      %dma_wait3A_228 = arith.constant 0 : i32
      %dma_wait3A_229 = tpu.memref_slice %arg7[%dma_wait3A_220, %dma_wait3A_221, %dma_wait3A_228] : memref<2x3x128xi32, #tpu.memory_space<vmem>> -> memref<1x1x128xi32, #tpu.memory_space<vmem>>
      %dma_wait3A_230 = tpu.memref_squeeze %dma_wait3A_229 : memref<1x1x128xi32, #tpu.memory_space<vmem>> -> memref<128xi32, #tpu.memory_space<vmem>>
      %dma_wait3A_231 = arith.constant 0 : i32
      %dma_wait3A_232 = arith.constant 0 : i32
      %dma_wait3A_233 = tpu.memref_slice %arg2[%arg0, %dma_wait3A_231, %dma_wait3A_232] : memref<2x10000x64xf32, #tpu.memory_space<hbm>> -> memref<1x10000x64xf32, #tpu.memory_space<hbm>>
      %dma_wait3A_234 = tpu.memref_squeeze %dma_wait3A_233 : memref<1x10000x64xf32, #tpu.memory_space<hbm>> -> memref<10000x64xf32, #tpu.memory_space<hbm>>
      %dma_wait3A_235 = arith.constant 0 : i32
      %dma_wait3A_236 = arith.constant 0 : i32
      %dma_wait3A_237 = tpu.memref_slice %dma_wait3A_234[%dma_wait3A_235, %dma_wait3A_236] : memref<10000x64xf32, #tpu.memory_space<hbm>> -> memref<10000x64xf32, #tpu.memory_space<hbm>>
      tpu.wait_indirect_dma semaphore(%arg14 : memref<!tpu.dma_semaphore, #tpu.memory_space<semaphore_mem>>) src(%dma_wait3A_237 : memref<10000x64xf32, #tpu.memory_space<hbm>>) dst(%dma_wait3A_227 : memref<128x64xf32, #tpu.memory_space<vmem>>)
      %run_scoped3A_238 = arith.constant 0 : i32
      %run_scoped3A_239 = arith.constant 0 : i32
      %run_scoped3A_240 = arith.constant 0 : i32
      %run_scoped3A_241 = arith.constant 0 : i32
      "tpu.region"() ({
        %run_scoped3A_244 = tpu.sem_alloc : memref<!tpu.dma_semaphore, #tpu.memory_space<semaphore_mem>>
        %dma_start3A_245 = arith.constant 0 : i32
        %dma_start3A_246 = arith.constant 0 : i32
        %dma_start3A_247 = tpu.memref_slice %arg9[%run_scoped3A_238, %run_scoped3A_239, %dma_start3A_245, %dma_start3A_246] : memref<2x3x128x64xf32, #tpu.memory_space<vmem>> -> memref<1x1x128x64xf32, #tpu.memory_space<vmem>>
        %dma_start3A_248 = tpu.memref_squeeze %dma_start3A_247 : memref<1x1x128x64xf32, #tpu.memory_space<vmem>> -> memref<128x64xf32, #tpu.memory_space<vmem>>
        %dma_start3A_249 = arith.constant 0 : i32
        %dma_start3A_250 = tpu.memref_slice %arg8[%run_scoped3A_240, %run_scoped3A_241, %dma_start3A_249] : memref<2x3x128xi32, #tpu.memory_space<vmem>> -> memref<1x1x128xi32, #tpu.memory_space<vmem>>
        %dma_start3A_251 = tpu.memref_squeeze %dma_start3A_250 : memref<1x1x128xi32, #tpu.memory_space<vmem>> -> memref<128xi32, #tpu.memory_space<vmem>>
        %dma_start3A_252 = arith.constant 0 : i32
        %dma_start3A_253 = arith.constant 0 : i32
        %dma_start3A_254 = tpu.memref_slice %arg12[%dma_start3A_252, %dma_start3A_253] : memref<10240x64xf32, #tpu.memory_space<vmem_shared>> -> memref<10240x64xf32, #tpu.memory_space<vmem_shared>>
        tpu.enqueue_indirect_dma source(%dma_start3A_248 : memref<128x64xf32, #tpu.memory_space<vmem>>) target(%dma_start3A_254 : memref<10240x64xf32, #tpu.memory_space<vmem_shared>>) offsets(%dma_start3A_251 : memref<128xi32, #tpu.memory_space<vmem>>) semaphore(%run_scoped3A_244 : memref<!tpu.dma_semaphore, #tpu.memory_space<semaphore_mem>>) {add = true}
        %dma_wait3A_255 = arith.constant 0 : i32
        %dma_wait3A_256 = arith.constant 0 : i32
        %dma_wait3A_257 = tpu.memref_slice %arg9[%run_scoped3A_238, %run_scoped3A_239, %dma_wait3A_255, %dma_wait3A_256] : memref<2x3x128x64xf32, #tpu.memory_space<vmem>> -> memref<1x1x128x64xf32, #tpu.memory_space<vmem>>
        %dma_wait3A_258 = tpu.memref_squeeze %dma_wait3A_257 : memref<1x1x128x64xf32, #tpu.memory_space<vmem>> -> memref<128x64xf32, #tpu.memory_space<vmem>>
        %dma_wait3A_259 = arith.constant 0 : i32
        %dma_wait3A_260 = tpu.memref_slice %arg8[%run_scoped3A_240, %run_scoped3A_241, %dma_wait3A_259] : memref<2x3x128xi32, #tpu.memory_space<vmem>> -> memref<1x1x128xi32, #tpu.memory_space<vmem>>
        %dma_wait3A_261 = tpu.memref_squeeze %dma_wait3A_260 : memref<1x1x128xi32, #tpu.memory_space<vmem>> -> memref<128xi32, #tpu.memory_space<vmem>>
        %dma_wait3A_262 = arith.constant 0 : i32
        %dma_wait3A_263 = arith.constant 0 : i32
        %dma_wait3A_264 = tpu.memref_slice %arg12[%dma_wait3A_262, %dma_wait3A_263] : memref<10240x64xf32, #tpu.memory_space<vmem_shared>> -> memref<10240x64xf32, #tpu.memory_space<vmem_shared>>
        tpu.wait_indirect_dma semaphore(%run_scoped3A_244 : memref<!tpu.dma_semaphore, #tpu.memory_space<semaphore_mem>>) src(%dma_wait3A_258 : memref<128x64xf32, #tpu.memory_space<vmem>>) dst(%dma_wait3A_264 : memref<10240x64xf32, #tpu.memory_space<vmem_shared>>)
        tpu.yield
      }) : () -> ()
      %run_scoped3A_242 = arith.constant 0 : i32
      %run_scoped3A_243 = arith.constant 0 : i32
      "tpu.region"() ({
        %run_scoped3A_244 = tpu.sem_alloc : memref<!tpu.dma_semaphore, #tpu.memory_space<semaphore_mem>>
        %dma_start3A_245 = arith.constant 0 : i32
        %dma_start3A_246 = tpu.memref_slice %arg8[%run_scoped3A_242, %run_scoped3A_243, %dma_start3A_245] : memref<2x3x128xi32, #tpu.memory_space<vmem>> -> memref<1x1x128xi32, #tpu.memory_space<vmem>>
        %dma_start3A_247 = tpu.memref_squeeze %dma_start3A_246 : memref<1x1x128xi32, #tpu.memory_space<vmem>> -> memref<128xi32, #tpu.memory_space<vmem>>
        %dma_start3A_248 = arith.constant 0 : i32
        %dma_start3A_249 = arith.constant 0 : i32
        %dma_start3A_250 = tpu.memref_slice %arg13[%dma_start3A_248, %dma_start3A_249] : memref<10240x16xf32, #tpu.memory_space<vmem_shared>> -> memref<10240x16xf32, #tpu.memory_space<vmem_shared>>
        tpu.enqueue_indirect_dma source(%arg10 : memref<128x16xf32, #tpu.memory_space<vmem>>) target(%dma_start3A_250 : memref<10240x16xf32, #tpu.memory_space<vmem_shared>>) offsets(%dma_start3A_247 : memref<128xi32, #tpu.memory_space<vmem>>) semaphore(%run_scoped3A_244 : memref<!tpu.dma_semaphore, #tpu.memory_space<semaphore_mem>>) {add = true}
        %dma_wait3A_251 = arith.constant 0 : i32
        %dma_wait3A_252 = tpu.memref_slice %arg8[%run_scoped3A_242, %run_scoped3A_243, %dma_wait3A_251] : memref<2x3x128xi32, #tpu.memory_space<vmem>> -> memref<1x1x128xi32, #tpu.memory_space<vmem>>
        %dma_wait3A_253 = tpu.memref_squeeze %dma_wait3A_252 : memref<1x1x128xi32, #tpu.memory_space<vmem>> -> memref<128xi32, #tpu.memory_space<vmem>>
        %dma_wait3A_254 = arith.constant 0 : i32
        %dma_wait3A_255 = arith.constant 0 : i32
        %dma_wait3A_256 = tpu.memref_slice %arg13[%dma_wait3A_254, %dma_wait3A_255] : memref<10240x16xf32, #tpu.memory_space<vmem_shared>> -> memref<10240x16xf32, #tpu.memory_space<vmem_shared>>
        tpu.wait_indirect_dma semaphore(%run_scoped3A_244 : memref<!tpu.dma_semaphore, #tpu.memory_space<semaphore_mem>>) src(%arg10 : memref<128x16xf32, #tpu.memory_space<vmem>>) dst(%dma_wait3A_256 : memref<10240x16xf32, #tpu.memory_space<vmem_shared>>)
        tpu.yield
      }) : () -> ()
    } else {
    }
    %barrier3A_197 = arith.constant 0 : index
    tpu.barrier barrier_id(%barrier3A_197)
    "tpu.region"() ({
      %run_scoped3A_198 = tpu.sem_alloc : memref<!tpu.dma_semaphore, #tpu.memory_space<semaphore_mem>>
      %dma_start3A_199 = arith.constant 0 : i32
      %dma_start3A_200 = tpu.memref_slice %arg5[%arg0, %mul3A_20, %dma_start3A_199] : memref<2x10240x64xf32, #tpu.memory_space<hbm>> -> memref<1x640x64xf32, #tpu.memory_space<hbm>>
      %dma_start3A_201 = tpu.memref_squeeze %dma_start3A_200 : memref<1x640x64xf32, #tpu.memory_space<hbm>> -> memref<640x64xf32, #tpu.memory_space<hbm>>
      %dma_start3A_202 = arith.constant 0 : i32
      %dma_start3A_203 = tpu.memref_slice %arg12[%mul3A_20, %dma_start3A_202] : memref<10240x64xf32, #tpu.memory_space<vmem_shared>> -> memref<640x64xf32, #tpu.memory_space<vmem_shared>>
      tpu.enqueue_dma source(%dma_start3A_203 : memref<640x64xf32, #tpu.memory_space<vmem_shared>>) target(%dma_start3A_201 : memref<640x64xf32, #tpu.memory_space<hbm>>) target_semaphore(%run_scoped3A_198 : memref<!tpu.dma_semaphore, #tpu.memory_space<semaphore_mem>>)
      %dma_wait3A_204 = arith.constant 0 : i32
      %dma_wait3A_205 = tpu.memref_slice %arg5[%arg0, %mul3A_20, %dma_wait3A_204] : memref<2x10240x64xf32, #tpu.memory_space<hbm>> -> memref<1x640x64xf32, #tpu.memory_space<hbm>>
      %dma_wait3A_206 = tpu.memref_squeeze %dma_wait3A_205 : memref<1x640x64xf32, #tpu.memory_space<hbm>> -> memref<640x64xf32, #tpu.memory_space<hbm>>
      %dma_wait3A_207 = arith.constant 0 : i32
      %dma_wait3A_208 = tpu.memref_slice %arg12[%mul3A_20, %dma_wait3A_207] : memref<10240x64xf32, #tpu.memory_space<vmem_shared>> -> memref<640x64xf32, #tpu.memory_space<vmem_shared>>
      tpu.wait_dma2 semaphore(%run_scoped3A_198 : memref<!tpu.dma_semaphore, #tpu.memory_space<semaphore_mem>>) src(%dma_wait3A_208 : memref<640x64xf32, #tpu.memory_space<vmem_shared>>) dst(%dma_wait3A_206 : memref<640x64xf32, #tpu.memory_space<hbm>>)
      tpu.yield
    }) : () -> ()
    "tpu.region"() ({
      %run_scoped3A_198 = tpu.sem_alloc : memref<!tpu.dma_semaphore, #tpu.memory_space<semaphore_mem>>
      %dma_start3A_199 = arith.constant 0 : i32
      %dma_start3A_200 = tpu.memref_slice %arg6[%arg0, %mul3A_20, %dma_start3A_199] : memref<2x10240x16xf32, #tpu.memory_space<hbm>> -> memref<1x640x16xf32, #tpu.memory_space<hbm>>
      %dma_start3A_201 = tpu.memref_squeeze %dma_start3A_200 : memref<1x640x16xf32, #tpu.memory_space<hbm>> -> memref<640x16xf32, #tpu.memory_space<hbm>>
      %dma_start3A_202 = arith.constant 0 : i32
      %dma_start3A_203 = tpu.memref_slice %arg13[%mul3A_20, %dma_start3A_202] : memref<10240x16xf32, #tpu.memory_space<vmem_shared>> -> memref<640x16xf32, #tpu.memory_space<vmem_shared>>
      tpu.enqueue_dma source(%dma_start3A_203 : memref<640x16xf32, #tpu.memory_space<vmem_shared>>) target(%dma_start3A_201 : memref<640x16xf32, #tpu.memory_space<hbm>>) target_semaphore(%run_scoped3A_198 : memref<!tpu.dma_semaphore, #tpu.memory_space<semaphore_mem>>)
      %dma_wait3A_204 = arith.constant 0 : i32
      %dma_wait3A_205 = tpu.memref_slice %arg6[%arg0, %mul3A_20, %dma_wait3A_204] : memref<2x10240x16xf32, #tpu.memory_space<hbm>> -> memref<1x640x16xf32, #tpu.memory_space<hbm>>
      %dma_wait3A_206 = tpu.memref_squeeze %dma_wait3A_205 : memref<1x640x16xf32, #tpu.memory_space<hbm>> -> memref<640x16xf32, #tpu.memory_space<hbm>>
      %dma_wait3A_207 = arith.constant 0 : i32
      %dma_wait3A_208 = tpu.memref_slice %arg13[%mul3A_20, %dma_wait3A_207] : memref<10240x16xf32, #tpu.memory_space<vmem_shared>> -> memref<640x16xf32, #tpu.memory_space<vmem_shared>>
      tpu.wait_dma2 semaphore(%run_scoped3A_198 : memref<!tpu.dma_semaphore, #tpu.memory_space<semaphore_mem>>) src(%dma_wait3A_208 : memref<640x16xf32, #tpu.memory_space<vmem_shared>>) dst(%dma_wait3A_206 : memref<640x16xf32, #tpu.memory_space<hbm>>)
      tpu.yield
    }) : () -> ()
    return
  }
}

module attributes {stable_mosaic.version = 14 : i64} {
  func.func @_phase_a_body(%arg0: i32, %arg1: memref<2x1000x64xf32, #tpu.memory_space<vmem>>, %arg2: memref<2x1000x16xf32, #tpu.memory_space<vmem>>, %arg3: memref<128x128xf32, #tpu.memory_space<vmem>>, %arg4: memref<1x1x1000xi32, #tpu.memory_space<vmem>>, %arg5: memref<1000x128xf32, #tpu.memory_space<vmem>>, %arg6: memref<64x128xf32, #tpu.memory_space<vmem>>, %arg7: memref<64x128xf32, #tpu.memory_space<vmem>>, %arg8: memref<64x1xf32, #tpu.memory_space<vmem>>) attributes {dimension_semantics = [#tpu.dimension_semantics<arbitrary>], iteration_bounds = array<i64: 10>, scalar_prefetch = 0 : i64, scratch_operands = 2 : i64, tpu.core_type = #tpu.core_type<tc>, window_params = [{transform_indices = @transform_0, window_bounds = array<i64: 2, 1000, 64>}, {transform_indices = @transform_1, window_bounds = array<i64: 2, 1000, 16>}, {pipeline_mode = #tpu.pipeline_mode<synchronous>, transform_indices = @transform_2, window_bounds = array<i64: 128, 128>}, {transform_indices = @transform_3, window_bounds = array<i64: 1, 1, 1000>}, {transform_indices = @transform_4, window_bounds = array<i64: 1000, 128>}, {pipeline_mode = #tpu.pipeline_mode<synchronous>, transform_indices = @transform_5, window_bounds = array<i64: 64, 128>}]} {
    %eq3A = arith.constant 0 : i32
    %eq3A_0 = arith.cmpi eq, %arg0, %eq3A : i32
    %convert_element_type3A = arith.extui %eq3A_0 : i1 to i32
    %cond3A = arith.constant 0 : i32
    %cond3A_1 = arith.cmpi ne, %convert_element_type3A, %cond3A : i32
    scf.if %cond3A_1 {
      %broadcast_in_dim3A_79 = arith.constant 0.000000e+00 : f32
      %broadcast_in_dim3A_80 = vector.broadcast %broadcast_in_dim3A_79 : f32 to vector<64x128xf32>
      %swap3A_81 = arith.constant 0 : index
      %swap3A_82 = arith.constant 0 : index
      %swap3A_83 = vector.load %arg7[%swap3A_81, %swap3A_82] : memref<64x128xf32, #tpu.memory_space<vmem>>, vector<64x128xf32>
      tpu.vector_store %arg7[%swap3A_81, %swap3A_82], %broadcast_in_dim3A_80 {strides = array<i32>} : memref<64x128xf32, #tpu.memory_space<vmem>>, vector<64x128xf32>,
      %broadcast_in_dim3A_84 = arith.constant 0.000000e+00 : f32
      %broadcast_in_dim3A_85 = vector.broadcast %broadcast_in_dim3A_84 : f32 to vector<64x1xf32>
      %swap3A_86 = arith.constant 0 : index
      %swap3A_87 = arith.constant 0 : index
      %swap3A_88 = vector.load %arg8[%swap3A_86, %swap3A_87] : memref<64x1xf32, #tpu.memory_space<vmem>>, vector<64x1xf32>
      tpu.vector_store %arg8[%swap3A_86, %swap3A_87], %broadcast_in_dim3A_85 {strides = array<i32>} : memref<64x1xf32, #tpu.memory_space<vmem>>, vector<64x1xf32>,
    } else {
    }
    %get3A = arith.constant 0 : index
    %get3A_2 = arith.constant 0 : index
    %get3A_3 = arith.constant 0 : index
    %get3A_4 = vector.load %arg1[%get3A, %get3A_2, %get3A_3] : memref<2x1000x64xf32, #tpu.memory_space<vmem>>, vector<1x1000x64xf32>
    %get3A_5 = vector.shape_cast %get3A_4 : vector<1x1000x64xf32> to vector<1000x64xf32>
    %get3A_6 = arith.constant 0 : index
    %get3A_7 = arith.constant 0 : index
    %get3A_8 = vector.load %arg3[%get3A_6, %get3A_7] : memref<128x128xf32, #tpu.memory_space<vmem>>, vector<64x128xf32>
    %dot_general3A = arith.constant dense<0.000000e+00> : vector<1000x128xf32>
    %dot_general3A_9 = tpu.matmul %get3A_5, %get3A_8, %dot_general3A {dimension_numbers = #tpu.dot_dimension_numbers<[1], [0], [0], [1], [0, 0, 1, 1], [], []>, transpose_lhs_hint = false} : vector<1000x64xf32>, vector<64x128xf32>, vector<1000x128xf32> -> vector<1000x128xf32>
    %get3A_10 = arith.constant 1 : index
    %get3A_11 = arith.constant 0 : index
    %get3A_12 = arith.constant 0 : index
    %get3A_13 = vector.load %arg1[%get3A_10, %get3A_11, %get3A_12] : memref<2x1000x64xf32, #tpu.memory_space<vmem>>, vector<1x1000x64xf32>
    %get3A_14 = vector.shape_cast %get3A_13 : vector<1x1000x64xf32> to vector<1000x64xf32>
    %get3A_15 = arith.constant 64 : index
    %get3A_16 = arith.constant 0 : index
    %get3A_17 = vector.load %arg3[%get3A_15, %get3A_16] : memref<128x128xf32, #tpu.memory_space<vmem>>, vector<64x128xf32>
    %dot_general3A_18 = arith.constant dense<0.000000e+00> : vector<1000x128xf32>
    %dot_general3A_19 = tpu.matmul %get3A_14, %get3A_17, %dot_general3A_18 {dimension_numbers = #tpu.dot_dimension_numbers<[1], [0], [0], [1], [0, 0, 1, 1], [], []>, transpose_lhs_hint = false} : vector<1000x64xf32>, vector<64x128xf32>, vector<1000x128xf32> -> vector<1000x128xf32>
    %add3A = arith.addf %dot_general3A_9, %dot_general3A_19 : vector<1000x128xf32>
    %get3A_20 = arith.constant 0 : index
    %get3A_21 = arith.constant 0 : index
    %get3A_22 = arith.constant 0 : index
    %get3A_23 = vector.load %arg2[%get3A_20, %get3A_21, %get3A_22] : memref<2x1000x16xf32, #tpu.memory_space<vmem>>, vector<1x1000x1xf32>
    %get3A_24 = vector.shape_cast %get3A_23 : vector<1x1000x1xf32> to vector<1000x1xf32>
    %get3A_25 = arith.constant 1 : index
    %get3A_26 = arith.constant 0 : index
    %get3A_27 = arith.constant 0 : index
    %get3A_28 = vector.load %arg2[%get3A_25, %get3A_26, %get3A_27] : memref<2x1000x16xf32, #tpu.memory_space<vmem>>, vector<1x1000x1xf32>
    %get3A_29 = vector.shape_cast %get3A_28 : vector<1x1000x1xf32> to vector<1000x1xf32>
    %add3A_30 = arith.addf %get3A_24, %get3A_29 : vector<1000x1xf32>
    %max3A = arith.constant 1.000000e+00 : f32
    %max3A_31 = vector.broadcast %max3A : f32 to vector<1000x1xf32>
    %max3A_32 = arith.maximumf %add3A_30, %max3A_31 : vector<1000x1xf32>
    %div3A = vector.broadcast %max3A_32 : vector<1000x1xf32> to vector<1000x128xf32>
    %div3A_33 = arith.divf %add3A, %div3A : vector<1000x128xf32>
    %max3A_34 = arith.constant 0.000000e+00 : f32
    %max3A_35 = vector.broadcast %max3A_34 : f32 to vector<1000x128xf32>
    %max3A_36 = arith.maximumf %div3A_33, %max3A_35 : vector<1000x128xf32>
    %mul3A = arith.mulf %max3A_36, %max3A_36 : vector<1000x128xf32>
    %reduce_sum3A = arith.constant dense<0.000000e+00> : vector<1000xf32>
    %reduce_sum3A_37 = vector.multi_reduction <add>, %mul3A, %reduce_sum3A [1] : vector<1000x128xf32> to vector<1000xf32>
    %broadcast_in_dim3A = vector.shape_cast %reduce_sum3A_37 : vector<1000xf32> to vector<1000x1xf32>
    %sqrt3A = math.sqrt %broadcast_in_dim3A : vector<1000x1xf32>
    %max3A_38 = arith.constant 9.99999996E-13 : f32
    %max3A_39 = vector.broadcast %max3A_38 : f32 to vector<1000x1xf32>
    %max3A_40 = arith.maximumf %sqrt3A, %max3A_39 : vector<1000x1xf32>
    %div3A_41 = vector.broadcast %max3A_40 : vector<1000x1xf32> to vector<1000x128xf32>
    %div3A_42 = arith.divf %max3A_36, %div3A_41 : vector<1000x128xf32>
    %swap3A = arith.constant 0 : index
    %swap3A_43 = arith.constant 0 : index
    %swap3A_44 = vector.load %arg5[%swap3A, %swap3A_43] : memref<1000x128xf32, #tpu.memory_space<vmem>>, vector<1000x128xf32>
    tpu.vector_store %arg5[%swap3A, %swap3A_43], %div3A_42 {strides = array<i32>} : memref<1000x128xf32, #tpu.memory_space<vmem>>, vector<1000x128xf32>,
    %get3A_45 = arith.constant 0 : index
    %get3A_46 = arith.constant 0 : index
    %get3A_47 = arith.constant 0 : index
    %get3A_48 = vector.load %arg4[%get3A_45, %get3A_46, %get3A_47] : memref<1x1x1000xi32, #tpu.memory_space<vmem>>, vector<1x1x1000xi32>
    %get3A_49 = vector.shape_cast %get3A_48 : vector<1x1x1000xi32> to vector<1x1000xi32>
    %iota3A = tpu.iota {dimensions = array<i32: 0>} : vector<64x1xi32>
    %eq3A_50 = vector.broadcast %get3A_49 : vector<1x1000xi32> to vector<64x1000xi32>
    %eq3A_51 = vector.broadcast %iota3A : vector<64x1xi32> to vector<64x1000xi32>
    %eq3A_52 = arith.cmpi eq, %eq3A_50, %eq3A_51 : vector<64x1000xi32>
    %convert_element_type3A_53 = arith.extui %eq3A_52 : vector<64x1000xi1> to vector<64x1000xi32>
    %convert_element_type3A_54 = arith.sitofp %convert_element_type3A_53 : vector<64x1000xi32> to vector<64x1000xf32>
    %get3A_55 = arith.constant 0 : index
    %get3A_56 = arith.constant 0 : index
    %get3A_57 = vector.load %arg7[%get3A_55, %get3A_56] : memref<64x128xf32, #tpu.memory_space<vmem>>, vector<64x128xf32>
    %dot_general3A_58 = arith.constant dense<0.000000e+00> : vector<64x128xf32>
    %dot_general3A_59 = tpu.matmul %convert_element_type3A_54, %div3A_42, %dot_general3A_58 {dimension_numbers = #tpu.dot_dimension_numbers<[1], [0], [0], [1], [0, 0, 1, 1], [], []>, transpose_lhs_hint = false} : vector<64x1000xf32>, vector<1000x128xf32>, vector<64x128xf32> -> vector<64x128xf32>
    %add3A_60 = arith.addf %get3A_57, %dot_general3A_59 : vector<64x128xf32>
    %swap3A_61 = arith.constant 0 : index
    %swap3A_62 = arith.constant 0 : index
    %swap3A_63 = vector.load %arg7[%swap3A_61, %swap3A_62] : memref<64x128xf32, #tpu.memory_space<vmem>>, vector<64x128xf32>
    tpu.vector_store %arg7[%swap3A_61, %swap3A_62], %add3A_60 {strides = array<i32>} : memref<64x128xf32, #tpu.memory_space<vmem>>, vector<64x128xf32>,
    %get3A_64 = arith.constant 0 : index
    %get3A_65 = arith.constant 0 : index
    %get3A_66 = vector.load %arg8[%get3A_64, %get3A_65] : memref<64x1xf32, #tpu.memory_space<vmem>>, vector<64x1xf32>
    %reduce_sum3A_67 = arith.constant dense<0.000000e+00> : vector<64xf32>
    %reduce_sum3A_68 = vector.multi_reduction <add>, %convert_element_type3A_54, %reduce_sum3A_67 [1] : vector<64x1000xf32> to vector<64xf32>
    %broadcast_in_dim3A_69 = vector.shape_cast %reduce_sum3A_68 : vector<64xf32> to vector<64x1xf32>
    %add3A_70 = arith.addf %get3A_66, %broadcast_in_dim3A_69 : vector<64x1xf32>
    %swap3A_71 = arith.constant 0 : index
    %swap3A_72 = arith.constant 0 : index
    %swap3A_73 = vector.load %arg8[%swap3A_71, %swap3A_72] : memref<64x1xf32, #tpu.memory_space<vmem>>, vector<64x1xf32>
    tpu.vector_store %arg8[%swap3A_71, %swap3A_72], %add3A_70 {strides = array<i32>} : memref<64x1xf32, #tpu.memory_space<vmem>>, vector<64x1xf32>,
    %eq3A_74 = arith.constant 9 : i32
    %eq3A_75 = arith.cmpi eq, %arg0, %eq3A_74 : i32
    %convert_element_type3A_76 = arith.extui %eq3A_75 : i1 to i32
    %cond3A_77 = arith.constant 0 : i32
    %cond3A_78 = arith.cmpi ne, %convert_element_type3A_76, %cond3A_77 : i32
    scf.if %cond3A_78 {
      %get3A_79 = arith.constant 0 : index
      %get3A_80 = arith.constant 0 : index
      %get3A_81 = vector.load %arg7[%get3A_79, %get3A_80] : memref<64x128xf32, #tpu.memory_space<vmem>>, vector<64x128xf32>
      %get3A_82 = arith.constant 0 : index
      %get3A_83 = arith.constant 0 : index
      %get3A_84 = vector.load %arg8[%get3A_82, %get3A_83] : memref<64x1xf32, #tpu.memory_space<vmem>>, vector<64x1xf32>
      %max3A_85 = arith.constant 1.000000e+00 : f32
      %max3A_86 = vector.broadcast %max3A_85 : f32 to vector<64x1xf32>
      %max3A_87 = arith.maximumf %get3A_84, %max3A_86 : vector<64x1xf32>
      %div3A_88 = vector.broadcast %max3A_87 : vector<64x1xf32> to vector<64x128xf32>
      %div3A_89 = arith.divf %get3A_81, %div3A_88 : vector<64x128xf32>
      %swap3A_90 = arith.constant 0 : index
      %swap3A_91 = arith.constant 0 : index
      %swap3A_92 = vector.load %arg6[%swap3A_90, %swap3A_91] : memref<64x128xf32, #tpu.memory_space<vmem>>, vector<64x128xf32>
      tpu.vector_store %arg6[%swap3A_90, %swap3A_91], %div3A_89 {strides = array<i32>} : memref<64x128xf32, #tpu.memory_space<vmem>>, vector<64x128xf32>,
    } else {
    }
    return
  }
  func.func @transform_0(%arg0: i32) -> (i32, i32, i32) {
    %c0_i32 = arith.constant 0 : i32
    %c0_i32_0 = arith.constant 0 : i32
    %c0_i32_1 = arith.constant 0 : i32
    return %c0_i32, %arg0, %c0_i32_0 : i32, i32, i32
  }
  func.func @transform_1(%arg0: i32) -> (i32, i32, i32) {
    %c0_i32 = arith.constant 0 : i32
    %c0_i32_0 = arith.constant 0 : i32
    %c0_i32_1 = arith.constant 0 : i32
    return %c0_i32, %arg0, %c0_i32_0 : i32, i32, i32
  }
  func.func @transform_2(%arg0: i32) -> (i32, i32) {
    %c0_i32 = arith.constant 0 : i32
    %c0_i32_0 = arith.constant 0 : i32
    %c0_i32_1 = arith.constant 0 : i32
    return %c0_i32, %c0_i32_0 : i32, i32
  }
  func.func @transform_3(%arg0: i32) -> (i32, i32, i32) {
    %c0_i32 = arith.constant 0 : i32
    %c0_i32_0 = arith.constant 0 : i32
    %c0_i32_1 = arith.constant 0 : i32
    return %arg0, %c0_i32, %c0_i32_0 : i32, i32, i32
  }
  func.func @transform_4(%arg0: i32) -> (i32, i32) {
    %c0_i32 = arith.constant 0 : i32
    %c0_i32_0 = arith.constant 0 : i32
    return %arg0, %c0_i32 : i32, i32
  }
  func.func @transform_5(%arg0: i32) -> (i32, i32) {
    %c0_i32 = arith.constant 0 : i32
    %c0_i32_0 = arith.constant 0 : i32
    %c0_i32_1 = arith.constant 0 : i32
    return %c0_i32, %c0_i32_0 : i32, i32
  }
}

module attributes {stable_mosaic.version = 14 : i64} {
  func.func @_phase_b_body(%arg0: i32, %arg1: memref<1000x128xf32, #tpu.memory_space<vmem>>, %arg2: memref<64x128xf32, #tpu.memory_space<vmem>>, %arg3: memref<1000x64xf32, #tpu.memory_space<vmem>>, %arg4: memref<1000x64xf32, #tpu.memory_space<vmem>>) attributes {dimension_semantics = [#tpu.dimension_semantics<arbitrary>], iteration_bounds = array<i64: 10>, scalar_prefetch = 0 : i64, scratch_operands = 0 : i64, tpu.core_type = #tpu.core_type<tc>, window_params = [{transform_indices = @transform_0, window_bounds = array<i64: 1000, 128>}, {pipeline_mode = #tpu.pipeline_mode<synchronous>, transform_indices = @transform_1, window_bounds = array<i64: 64, 128>}, {transform_indices = @transform_2, window_bounds = array<i64: 1000, 64>}, {transform_indices = @transform_3, window_bounds = array<i64: 1000, 64>}]} {
    %get3A = arith.constant 0 : index
    %get3A_0 = arith.constant 0 : index
    %get3A_1 = vector.load %arg1[%get3A, %get3A_0] : memref<1000x128xf32, #tpu.memory_space<vmem>>, vector<1000x128xf32>
    %get3A_2 = arith.constant 0 : index
    %get3A_3 = arith.constant 0 : index
    %get3A_4 = vector.load %arg2[%get3A_2, %get3A_3] : memref<64x128xf32, #tpu.memory_space<vmem>>, vector<64x128xf32>
    %dot_general3A = arith.constant dense<0.000000e+00> : vector<1000x64xf32>
    %dot_general3A_5 = tpu.matmul %get3A_1, %get3A_4, %dot_general3A {dimension_numbers = #tpu.dot_dimension_numbers<[1], [1], [0], [0], [0, 0, 1, 0], [], []>, transpose_lhs_hint = false} : vector<1000x128xf32>, vector<64x128xf32>, vector<1000x64xf32> -> vector<1000x64xf32>
    %swap3A = arith.constant 0 : index
    %swap3A_6 = arith.constant 0 : index
    %swap3A_7 = vector.load %arg3[%swap3A, %swap3A_6] : memref<1000x64xf32, #tpu.memory_space<vmem>>, vector<1000x64xf32>
    tpu.vector_store %arg3[%swap3A, %swap3A_6], %dot_general3A_5 {strides = array<i32>} : memref<1000x64xf32, #tpu.memory_space<vmem>>, vector<1000x64xf32>,
    %mul3A = arith.constant 3.000000e+01 : f32
    %mul3A_8 = vector.broadcast %mul3A : f32 to vector<1000x64xf32>
    %mul3A_9 = arith.mulf %mul3A_8, %dot_general3A_5 : vector<1000x64xf32>
    %reduce_max3A = arith.constant dense<0xFF800000> : vector<1000xf32>
    %reduce_max3A_10 = vector.multi_reduction <maximumf>, %mul3A_9, %reduce_max3A [1] : vector<1000x64xf32> to vector<1000xf32>
    %broadcast_in_dim3A = vector.shape_cast %reduce_max3A_10 : vector<1000xf32> to vector<1000x1xf32>
    %sub3A = vector.broadcast %broadcast_in_dim3A : vector<1000x1xf32> to vector<1000x64xf32>
    %sub3A_11 = arith.subf %mul3A_9, %sub3A : vector<1000x64xf32>
    %exp3A = math.exp %sub3A_11 : vector<1000x64xf32>
    %reduce_sum3A = arith.constant dense<0.000000e+00> : vector<1000xf32>
    %reduce_sum3A_12 = vector.multi_reduction <add>, %exp3A, %reduce_sum3A [1] : vector<1000x64xf32> to vector<1000xf32>
    %broadcast_in_dim3A_13 = vector.shape_cast %reduce_sum3A_12 : vector<1000xf32> to vector<1000x1xf32>
    %div3A = vector.broadcast %broadcast_in_dim3A_13 : vector<1000x1xf32> to vector<1000x64xf32>
    %div3A_14 = arith.divf %exp3A, %div3A : vector<1000x64xf32>
    %swap3A_15 = arith.constant 0 : index
    %swap3A_16 = arith.constant 0 : index
    %swap3A_17 = vector.load %arg4[%swap3A_15, %swap3A_16] : memref<1000x64xf32, #tpu.memory_space<vmem>>, vector<1000x64xf32>
    tpu.vector_store %arg4[%swap3A_15, %swap3A_16], %div3A_14 {strides = array<i32>} : memref<1000x64xf32, #tpu.memory_space<vmem>>, vector<1000x64xf32>,
    return
  }
  func.func @transform_0(%arg0: i32) -> (i32, i32) {
    %c0_i32 = arith.constant 0 : i32
    %c0_i32_0 = arith.constant 0 : i32
    return %arg0, %c0_i32 : i32, i32
  }
  func.func @transform_1(%arg0: i32) -> (i32, i32) {
    %c0_i32 = arith.constant 0 : i32
    %c0_i32_0 = arith.constant 0 : i32
    %c0_i32_1 = arith.constant 0 : i32
    return %c0_i32, %c0_i32_0 : i32, i32
  }
  func.func @transform_2(%arg0: i32) -> (i32, i32) {
    %c0_i32 = arith.constant 0 : i32
    %c0_i32_0 = arith.constant 0 : i32
    return %arg0, %c0_i32 : i32, i32
  }
  func.func @transform_3(%arg0: i32) -> (i32, i32) {
    %c0_i32 = arith.constant 0 : i32
    %c0_i32_0 = arith.constant 0 : i32
    return %arg0, %c0_i32 : i32, i32
  }
}

</mosaic_0001>

<sc_bundles>
// kernel: kernel.5.cloned.1.call-start
scs
__scs_entry_jumppad:
0x0: {  	(pc) =	sbr.rel $0x88, $3  }
0x1: {  	(tag) =	ssettag $0x0;
	lr =	simm.s32 $0x1  }
0x2: {  	[smem:$0x3F9D] =	sst lr;
	_ =	strace $0xD0000000  }
0x3: {  	_ = 	snop  }
0x4: {  	_ = 	snop  }
0x5: {  	_ = 	snop  }
0x6: {  	_ = 	snop  }
0x7: {  	_ = 	snop  }
__scs_overlays_trampoline_lowered:
0x8: {  	[smem:$0x3FAC] =	sst s0  }
0x9: {  	[smem:$0x3FAD] =	sst s1  }
0xa: {  	[smem:$0x3FAE] =	sst s2  }
0xb: {  	[smem:$0x3FAF] =	sst s3  }
0xc: {  	[smem:$0x3FB0] =	sst s4  }
0xd: {  	[smem:$0x3FB1] =	sst s5  }
0xe: {  	[smem:$0x3FB2] =	sst s6  }
0xf: {  	[smem:$0x3FB3] =	sst s7  }
0x10: {  	[smem:$0x3FB4] =	sst s8  }
0x11: {  	[smem:$0x3FB5] =	sst s9;
	s0 =	simm.s32 @!p0 $0x0  }
0x12: {  	s1 =	sld [smem:$0x3F9B];
	s0 =	simm.s32 @p0 $0x1  }
0x13: {  	[smem:$0x3FB6] =	sst s0;
	s0 =	simm.s32 @!p1 $0x0  }
0x14: {  	s2 =	sld [smem:$0x3F9A];
	s0 =	simm.s32 @p1 $0x1  }
0x15: {  	[smem:$0x3FB7] =	sst s0;
	s0 =	simm.s32 @!p2 $0x0  }
0x16: {  	s3 =	sld [smem:$0x3FDB];
	s0 =	simm.s32 @p2 $0x1  }
0x17: {  	s4 =	simm.s32 $0x1BF5;
	[smem:$0x3FB9] =	sst s0  }
0x18: {  	s0 =	sld [smem:$0x3F9C];
	_ =	swait.ge [sflag:s4], $0x0  }
0x19: {  	s7 =	sld [smem:$0x3F9D]  }
0x1a: {  	s8 =	sadd.s32 $0xFFFFE003, lr  }
0x1b: {  	s9 =	sadd.s32 $0xFFFFFEF7, lr;
	s5 =	simm.s32 $0xFFFFFFFF;
	p2 =	slt.u32 s8, $0xFFFFF086  }
0x1c: {  	p1 =	slt.u32 s9, $0xF7A;
	s5 =	simm.s32 @!p2 $0x0  }
0x1d: {  	s5 =	simm.s32 @p1 $0x1;
	p0 =	seq.s32 s7, s2  }
0x1e: {  	s7 =	smul.u32 @!p0 $0xF7A, s2;
	p2 =	seq.s32 @!p0 s5, $0x0  }
0x1f: {  	s9 =	smul.u32 $0xF7A, s1;
	s8 =	simm.s32 @!p0 $0x1BF5;
	p2 =	por !p2, p0  }
0x20: {  	[sflag:s8] =	ssyncset.s32 @!p0 $0xFFFFF086;
	s6 =	sadd.s32 @!p0 s3, s7;
	s7 =	simm.s32 @!p0 $0x108  }
0x21: {  	s3 =	sadd.s32 s3, s9;
	s6 =	sadd.s32 @!p0 $0x88, s6;
	s7 =	simm.s32 @p2 $0x1082  }
0x22: {  	[simem:s7], [sflag:s8] =	dma.local @!p0 [hbm:s6], $0xF7A  }
0x23: {  	s9 =	sor.u32 $0xD0000000, s2;
	s6 =	simm.s32 $0x108;
	_ =	swait.ge @!p0 [sflag:s8], $0x0  }
0x24: {  	s3 =	sadd.s32 $0x88, s3;
	s6 =	simm.s32 @!p1 $0x1082;
	[sflag:s4] =	ssyncset.s32 $0xFFFFF086  }
0x25: {  	[simem:s6], [sflag:s4] =	dma.local [hbm:s3], $0xF7A  }
0x26: {  	[smem:$0x3F9D] =	sst s1;
	(tag) =	ssettag s2;
	_ =	strace s9  }
0x27: {  	s1 =	sld [smem:$0x3FAD]  }
0x28: {  	s2 =	sld [smem:$0x3FAE]  }
0x29: {  	s4 =	sld [smem:$0x3FB0]  }
0x2a: {  	p0 =	seq.s32 s5, $0x0;
	s5 =	sld [smem:$0x3FB1]  }
0x2b: {  	s6 =	sld [smem:$0x3FB2]  }
0x2c: {  	s7 =	sld [smem:$0x3FB3]  }
0x2d: {  	s3 =	simm.s32 $0x108;
	s8 =	sld [smem:$0x3FB4]  }
0x2e: {  	s3 =	simm.s32 @!p0 $0x1082;
	s9 =	sld [smem:$0x3FB5]  }
0x2f: {  	lr =	sadd.s32 s0, s3;
	s0 =	sld [smem:$0x3FAC]  }
0x30: {  	s3 =	sld [smem:$0x3FAF]  }
0x31: {  	[smem:$0x3FB8] =	sst s10  }
0x32: {  	s10 =	sld [smem:$0x3FB6];
	_ =	sdelay $0x3  }
0x33: {  	p0 =	seq.s32 s10, $0x1;
	s10 =	sld [smem:$0x3FB8];
	_ =	sdelay $0x3  }
0x34: {  	[smem:$0x3FB8] =	sst s10  }
0x35: {  	s10 =	sld [smem:$0x3FB7];
	_ =	sdelay $0x3  }
0x36: {  	p1 =	seq.s32 s10, $0x1;
	s10 =	sld [smem:$0x3FB8];
	_ =	sdelay $0x3  }
0x37: {  	[smem:$0x3FB8] =	sst s10  }
0x38: {  	s10 =	sld [smem:$0x3FB9]  }
0x39: {  	_ = 	snop;
	(pc) =	sbr.ind lr, $3  }
0x3a: {  	_ = 	snop  }
0x3b: {  	_ = 	snop  }
0x3c: {  	p2 =	seq.s32 s10, $0x1;
	s10 =	sld [smem:$0x3FB8]  }
0x3d: {  	_ =	shalt  }
0x3e: {  	_ =	shalt  }
0x3f: {  	_ =	shalt  }
0x40: {  	_ =	shalt  }
0x41: {  	_ =	shalt  }
0x42: {  	_ =	shalt  }
0x43: {  	_ =	shalt  }
0x44: {  	_ =	shalt  }
0x45: {  	_ =	shalt  }
0x46: {  	_ =	shalt  }
0x47: {  	_ =	shalt  }
0x48: {  	_ =	shalt  }
0x49: {  	_ =	shalt  }
0x4a: {  	_ =	shalt  }
0x4b: {  	_ =	shalt  }
0x4c: {  	_ =	shalt  }
0x4d: {  	_ =	shalt  }
0x4e: {  	_ =	shalt  }
0x4f: {  	_ =	shalt  }
0x50: {  	_ =	shalt  }
0x51: {  	_ =	shalt  }
0x52: {  	_ =	shalt  }
0x53: {  	_ =	shalt  }
0x54: {  	_ =	shalt  }
0x55: {  	_ =	shalt  }
0x56: {  	_ =	shalt  }
0x57: {  	_ =	shalt  }
0x58: {  	_ =	shalt  }
0x59: {  	_ =	shalt  }
0x5a: {  	_ =	shalt  }
0x5b: {  	_ =	shalt  }
0x5c: {  	_ =	shalt  }
0x5d: {  	_ =	shalt  }
0x5e: {  	_ =	shalt  }
0x5f: {  	_ =	shalt  }
0x60: {  	_ =	shalt  }
0x61: {  	_ =	shalt  }
0x62: {  	_ =	shalt  }
0x63: {  	_ =	shalt  }
0x64: {  	_ =	shalt  }
0x65: {  	_ =	shalt  }
0x66: {  	_ =	shalt  }
0x67: {  	_ =	shalt  }
0x68: {  	_ =	shalt  }
0x69: {  	_ =	shalt  }
0x6a: {  	_ =	shalt  }
0x6b: {  	_ =	shalt  }
0x6c: {  	_ =	shalt  }
0x6d: {  	_ =	shalt  }
0x6e: {  	_ =	shalt  }
0x6f: {  	_ =	shalt  }
0x70: {  	_ =	shalt  }
0x71: {  	_ =	shalt  }
0x72: {  	_ =	shalt  }
0x73: {  	_ =	shalt  }
0x74: {  	_ =	shalt  }
0x75: {  	_ =	shalt  }
0x76: {  	_ =	shalt  }
0x77: {  	_ =	shalt  }
0x78: {  	_ =	shalt  }
0x79: {  	_ =	shalt  }
0x7a: {  	_ =	shalt  }
0x7b: {  	_ =	shalt  }
0x7c: {  	_ =	shalt  }
0x7d: {  	_ =	shalt  }
0x7e: {  	_ =	shalt  }
0x7f: {  	_ =	shalt  }
0x80: {  	_ =	shalt  }
0x81: {  	_ =	shalt  }
0x82: {  	_ =	shalt  }
0x83: {  	_ =	shalt  }
0x84: {  	_ =	shalt  }
0x85: {  	_ =	shalt  }
0x86: {  	_ =	shalt  }
0x87: {  	_ =	shalt  }
.Lfunc_end0:
.L_simem_size_0:
called_computation_lowered:
.L_overlay_start_0:
0x88: {  	s2 =	sld [smem:$0x3FD9]  }
0x89: {  	s3 =	sld [smem:$0x3FFE];
	_ =	sdelay $0x1  }
0x8a: {  	s1 =	srdreg.scid  }
0x8b: {  	s0 =	sand.u32 $0x1, s1  }
0x8c: {  	s14 =	sshll.u32 s0, $0xA;
	s2 =	sadd.s32 s3, s2  }
0x8d: {  	s2 =	sadd.s32 s2, s14  }
0x8e: {  	[smem:$0x3FC4] =	sst s2  }
0x8f: {  	_ = 	snop  }
0x90: {  	s2 =	sld [smem:$0x3FD0];
	_ =	sdelay $0x2  }
0x91: {  	s15 =	simm.s32 $0xA;
	s4 =	simm.s32 $0x10  }
0x92: {  	[smem:s4], [sflag:s15] =	dma.local [hbm:s2], $0x1  }
0x93: {  	_ =	swait.eq [sflag:s15], $0x1  }
0x94: {  	s16 =	sld [smem:$0x10];
	[sflag:s15] =	ssyncset.done $0x0  }
0x95: {  	s17 =	sld [smem:$0x12];
	[sflag:s15] =	ssyncadd.s32 $0xFFFFFFFF  }
0x96: {  	s18 =	sld [smem:$0x13];
	(tm) =	ssettm $0x1  }
0x97: {  	s5 =	sld [smem:$0x3FFB];
	_ =	sdelay $0x3  }
0x98: {  	_ =	strace s5  }
0x99: {  	s5 =	sld [smem:$0x3FFC];
	_ =	sdelay $0x3  }
0x9a: {  	_ =	strace s5  }
0x9b: {  	s5 =	sld [smem:$0x3FFD];
	_ =	sdelay $0x3  }
0x9c: {  	_ =	strace s5  }
0x9d: {  	_ =	strace $0x8FFFFFFF  }
0x9e: {  	s19 =	sld [smem:$0x3FDB];
	_ =	sdelay $0x1  }
0x9f: {  	s6 =	simm.s32 $_scs_section_size  }
0xa0: {  	s7 =	simm.s32 $_size__tile_overlayer_lowered;
	s8 =	simm.s32 $_tile_overlayer_lowered  }
0xa1: {  	s22 =	simm.s32 $0x1BFF;
	s21 =	sshll.u32 s8, $0x1;
	s5 =	sadd.s32 s6, s19  }
0xa2: {  	s9 =	simm.s32 $0x0;
	s20 =	sshll.u32 s7, $0x1;
	s7 =	sadd.s32 s21, s5  }
0xa3: {  	[timem:s9], [sflag:s22] =	dma.local [hbm:s7], s20  }
0xa4: {  	_ =	swait.ge [sflag:s22], s20  }
0xa5: {  	s6 =	ssub.s32 $0x0, s20;
	[sflag:s22] =	ssyncset.done $0x0  }
0xa6: {  	[sflag:s22] =	ssyncadd.s32 s6;
	_ =	sdelay $0x1  }
0xa7: {  	s23 =	simm.s32 $0x1B8B  }
0xa8: {  	_ =	swait.ge [sflag:s23], $0x1  }
0xa9: {  	[sflag:s23] =	ssyncset.done $0x0  }
0xaa: {  	s25 =	simm.s32 $0x1B8E;
	s24 =	sld [smem:$0x3FFE];
	[sflag:s23] =	ssyncadd.s32 $0xFFFFFFFF  }
0xab: {  	s26 =	simm.s32 $execute0_lowered;
	[smem:$0x3FD2] =	sst s25  }
0xac: {  	s7 =	sshll.u32 s26, $0x1;
	_ =	strace $0x80000046;
	[dreg:$0x1] =	wrdreg $0xFFFFFFFF  }
0xad: {  	s28 =	simm.s32 $_size_execute0_lowered;
	s5 =	sadd.s32 s5, s7;
	[dreg:$0x0] =	wrdreg $0x0  }
0xae: {  	s7 =	sshll.u32 s28, $0x1;
	[dreg:$0x2] =	wrdreg s5  }
0xaf: {  	[dreg:$0x3] =	wrdreg s7  }
0xb0: {  	[dreg:$0x4] =	wrdreg $0xC0  }
0xb1: {  	_ =	task [dreg:s9], $0x5FFFF  }
0xb2: {  	[dreg:$0x1] =	wrdreg $0xFFFFFFFF  }
0xb3: {  	[dreg:$0x0] =	wrdreg $0x60  }
0xb4: {  	[dreg:$0x2] =	wrdreg s16  }
0xb5: {  	[dreg:$0x3] =	wrdreg s24  }
0xb6: {  	[dreg:$0x4] =	wrdreg s17  }
0xb7: {  	[dreg:$0x5] =	wrdreg s18  }
0xb8: {  	[dreg:$0x6] =	wrdreg $0xD6000  }
0xb9: {  	[dreg:$0x7] =	wrdreg $0x176000  }
0xba: {  	[dreg:$0x8] =	wrdreg $0x9  }
0xbb: {  	_ =	task.clear_ibuf [dreg:s9], $0x9FFFF;
	_ =	strace $0x90000046  }
0xbc: {  	s29 =	simm.s32 $0x9;
	_ =	strace $0x80000048  }
0xbd: {  	_ =	swait.ge [sflag:s29], $0x1  }
0xbe: {  	[sflag:s29] =	ssyncadd.s32 $0xFFFFFFFF  }
0xbf: {  	_ =	strace $0x90000048  }
0xc0: {  	_ =	sfence  }
0xc1: {  	s30 =	sld [smem:$0x0];
	_ =	sdelay $0x2  }
0xc2: {  	s31 =	sshll.u32 s1, $0xD;
	s1 =	sshrl.u32 s1, $0x2  }
0xc3: {  	s3 =	sand.u32 $0x4000, s31;
	s1 =	sadd.s32 s1, s30  }
0xc4: {  	s0 =	sor.u32 s3, s0;
	s1 =	sshll.u32 s1, $0x11  }
0xc5: {  	s0 =	sor.u32 s1, s0  }
0xc6: {  	s0 =	sadd.s32 $0x8F2B, s0  }
0xc7: {  	[sflag:s0] =	ssyncadd.remote.s32 $0x1  }
0xc8: {  	_ =	sfence.sel $0xFFFF  }
0xc9: {  	[dreg:$0x0] =	wrdreg $0xFFFFFFFF;
	(pc) =	sbr.abs _section_cstart, $3  }
0xca: {  	[dreg:$0x1] =	wrdreg $0xFFFFFFFF  }
0xcb: {  	_ =	task.clear_ibuf [dreg:s9], $0x2FFFF;
	_ =	strace $0x9FFFFFFF  }
0xcc: {  	(tm) =	ssettm $0x7FFFFFFF  }
0xcd: {  	_ =	shalt  }
tec
execute0_lowered:
.L_overlay_start_1:
0x0: {  	(tag) =	ssettag $0x1  }
0x1: {  	s0 =	rddreg [dreg:$0x0]  }
0x2: {  	s1 =	rddreg [dreg:$0x1]  }
0x3: {  	s5 =	rddreg [dreg:$0x2]  }
0x4: {  	s6 =	rddreg [dreg:$0x3]  }
0x5: {  	s2 =	rddreg [dreg:$0x4]  }
0x6: {  	s3 =	rddreg [dreg:$0x5];
	s17 =	stileid.u32  }
0x7: {  	s7 =	srdreg.scid;
	s8 =	smul.u32 $0xA000, s17  }
0x8: {  	s4 =	simm.s32 $0x0;
	s28 =	simm.s32 $0x600;
	s12 =	smul.u32 $0x280, s17  }
0x9: {  	s29 =	simm.s32 $0x7;
	s31 =	simm.s32 $0x300;
	s14 =	smul.u32 $0x2800, s17  }
0xa: {  	s7 =	sand.u32 $0x1, s7;
	[smem:$0x7FF] =	sst s4;
	s30 =	smul.u32 $0x9C, s17  }
0xb: {  	s10 =	sadd.s32 $0x1200, s1;
	s16 =	smin.u32 s17, $0x4;
	s9 =	smul.u32 $0xA0000, s7  }
0xc: {  	p0 =	sgt.u32 s17, $0x3;
	s11 =	ssub.s32 $0x2, s7;
	s20 =	smul.u32 $0x28000, s7  }
0xd: {  	_ =	strace $0x80000047;
	s7 =	smul.u32 $0x13880, s7;
	s13 =	sshrl.u32 s11, $0x1  }
0xe: {  	s23 =	sadd.s32 $0x80, s12;
	s24 =	sadd.s32 s14, s3;
	s26 =	sadd.s32 $0x100, s12  }
0xf: {  	s19 =	sadd.s32 s16, s30;
	s9 =	sadd.s32 s8, s9;
	s8 =	sadd.s32 s8, s2  }
0x10: {  	[dreg:$0x8] =	wrdreg s24;
	s25 =	sshll.u32 s23, $0x6;
	s15 =	sshll.u32 s26, $0x6  }
0x11: {  	s14 =	sadd.s32 s14, s20;
	s9 =	sshrl.u32 s9, $0x3;
	[dreg:$0x7] =	wrdreg s8  }
0x12: {  	s8 =	sadd.s32 s25, s2;
	s18 =	sadd.s32 s15, s2;
	s24 =	sshrl.u32 s14, $0x3  }
0x13: {  	s25 =	smul.u32 $0x9C0, s17;
	s15 =	sadd.s32 $0x180, s12;
	s17 =	simm.s32 $0xA600  }
0x14: {  	s1 =	sadd.s32 s9, s1;
	s9 =	ssub.s32 s11, s13;
	[dreg:$0x9] =	wrdreg s8  }
0x15: {  	s11 =	sshll.u32 s23, $0x4;
	[dreg:$0xb] =	wrdreg s18;
	s8 =	sshll.u32 s26, $0x4  }
0x16: {  	s13 =	sadd.s32 s0, s7;
	s0 =	sadd.s32 s6, s24;
	s20 =	sshll.u32 s15, $0x6  }
0x17: {  	s11 =	sadd.s32 s11, s3;
	[dreg:$0x10] =	wrdreg s0;
	s14 =	sadd.s32 s25, s10  }
0x18: {  	s0 =	sadd.s32 s20, s2;
	[dreg:$0xa] =	wrdreg s11;
	s11 =	sshll.u32 s19, $0x4  }
0x19: {  	s20 =	simm.s32 $0x1;
	[dreg:$0x14] =	wrdreg s0;
	s21 =	sadd.s32 s10, s11  }
0x1a: {  	s19 =	sshll.u32 s16, $0x4;
	s18 =	sadd.s32 s5, s11;
	[dreg:$0xc] =	wrdreg s21  }
0x1b: {  	s22 =	sadd.s32 $0x30, s11;
	s11 =	sadd.s32 $0x9C0, s11;
	[dreg:$0xd] =	wrdreg s18  }
0x1c: {  	s23 =	sadd.s32 s10, s22;
	s26 =	sadd.s32 s5, s22;
	s30 =	sadd.s32 s10, s11  }
0x1d: {  	s6 =	sadd.s32 s5, s11;
	s11 =	sadd.s32 s25, s5;
	[dreg:$0xe] =	wrdreg s23  }
0x1e: {  	s21 =	sadd.s32 s8, s3;
	s22 =	sadd.s32 $0x200, s12;
	[dreg:$0xf] =	wrdreg s26  }
0x1f: {  	s8 =	simm.s32 $0x80;
	s10 =	simm.s32 $0x4600;
	[dreg:$0x11] =	wrdreg s30  }
0x20: {  	s12 =	simm.s32 $0x6600;
	[dreg:$0x12] =	wrdreg s6;
	s18 =	sadd.s32 s19, s11  }
0x21: {  	s19 =	sadd.s32 s19, s14;
	[dreg:$0x13] =	wrdreg s21;
	s23 =	sshll.u32 s15, $0x4  }
0x22: {  	s24 =	sshll.u32 s22, $0x6;
	s0 =	sshll.u32 s22, $0x4;
	s26 =	sadd.s32 $0xB000, s1  }
0x23: {  	s30 =	smax.u32 s9, $0x1;
	s1 =	simm.s32 $0x480;
	s9 =	simm.s32 $0x2600  }
0x24: {  	s11 =	simm.s32 $0x6;
	s15 =	simm.s32 $0x8600;
	s21 =	simm.s32 $0xC600  }
0x25: {  	s22 =	simm.s32 $0x380;
	s6 =	simm.s32 $0x4;
	[dreg:$0x18] =	wrdreg s26  }
.Ltmp0:
0x26: {  	s5 =	sadd.s32 s23, s3;
	[dreg:$0x19] =	wrdreg s30;
	(pc) =	sbr.rel .LBB2_1-.Ltmp0, $4  }
0x27: {  	s14 =	simm.s32 $0x0;
	s25 =	sadd.s32 s24, s2;
	[dreg:$0x15] =	wrdreg s5  }
0x28: {  	s0 =	sadd.s32 s0, s3;
	s23 =	simm.s32 $0x400;
	[dreg:$0x16] =	wrdreg s25  }
0x29: {  	s24 =	simm.s32 $0x3;
	s26 =	simm.s32 $0x500;
	[dreg:$0x17] =	wrdreg s0  }
0x2a: {  	v0 =	vimm.f32 $0.0e+00;
	v1 =	vimm.f32 $5.000000000e-01;
	s0 =	simm.s32 $0x180;
	s25 =	simm.s32 $0x2;
	s5 =	simm.s32 $0x580  }
.LBB2_10:
0x2b: {  	s7 =	simm.s32 @!p0 $0x0;
	s14 =	rddreg [dreg:$0x11]  }
0x2c: {  	[tilespmem:s7], [sflag:$0x7] =	stream.linear.gather @!p0 [hbm4b:s14+s7], $0x80, $0x38;
	[tilespmem:$0x19E00] =	vst v63  }
0x2d: {  	s14 =	simm.s32 @!p0 $0x7  }
0x2e: {  	_ =	swait.ge @!p0 [sflag:s14], $0x80  }
0x2f: {  	[sflag:s14] =	ssyncset.done @!p0 $0x0  }
0x30: {  	s30 =	simm.s32 @!p0 $0x300;
	s16 =	rddreg [dreg:$0x12];
	[sflag:s14] =	ssyncadd.s32 @!p0 $0xFFFFFF80  }
0x31: {  	[tilespmem:s30], [sflag:$0x7] =	stream.linear.gather @!p0 [hbm4b:s16+s7], $0x80, $0x38;
	[tilespmem:$0x19E00] =	vst v63  }
0x32: {  	_ =	swait.ge @!p0 [sflag:s14], $0x80  }
0x33: {  	[sflag:s14] =	ssyncset.done @!p0 $0x0  }
0x34: {  	s30 =	simm.s32 @!p0 $0x80;
	s16 =	simm.s32 @!p0 $0x600;
	[sflag:s14] =	ssyncadd.s32 @!p0 $0xFFFFFF80  }
0x35: {  	[tilespmem:s16], [sflag:$0x1] =	stream.indirect.gather @!p0 [hbm4b:s13+s30], $0x40, s7, s30, $0xb8;
	[tilespmem:$0x19E00] =	vst v63  }
0x36: {  	s7 =	simm.s32 @!p0 $0x1  }
0x37: {  	_ =	swait.ge @!p0 [sflag:s7], $0x2000  }
0x38: {  	[sflag:s7] =	ssyncset.done @!p0 $0x0  }
0x39: {  	[sflag:s7] =	ssyncadd.s32 @!p0 $0xFFFFE000;
	s7 =	simm.s32 @!p0 $0x300  }
0x3a: {  	[spmem:s2] =	stream.indirect.scatter.add.f32 @!p0 [tilespmem:s16], [sflag:$0x7], $0x40, s7, s30, $0xb8;
	[tilespmem:$0x19E00] =	vst v63  }
0x3b: {  	_ =	swait.ge @!p0 [sflag:s14], $0x2000  }
0x3c: {  	[sflag:s14] =	ssyncset.done @!p0 $0x0  }
0x3d: {  	s16 =	simm.s32 @!p0 $0x300;
	s7 =	simm.s32 @!p0 $0xC600;
	[sflag:s14] =	ssyncadd.s32 @!p0 $0xFFFFE000  }
0x3e: {  	[spmem:s3] =	stream.indirect.scatter.add.f32 @!p0 [tilespmem:s7], [sflag:$0x7], $0x10, s16, s30, $0xb8;
	[tilespmem:$0x19E00] =	vst v63  }
0x3f: {  	_ =	swait.ge @!p0 [sflag:s14], $0x800  }
0x40: {  	[sflag:s14] =	ssyncset.done @!p0 $0x0  }
0x41: {  	[sflag:s14] =	ssyncadd.s32 @!p0 $0xFFFFF800  }
0x42: {  	s14 =	stileid.u32;
	[bflag:$0x0] =	sbarrier.arrive $0xFFFF  }
0x43: {  	s7 =	sshll.u32 s14, $0x6;
	s16 =	rddreg [dreg:$0x7]  }
0x44: {  	s7 =	sor.u32 $0x1C07, s7;
	s30 =	rddreg [dreg:$0x18];
	s14 =	sshrl.u32 s16, $0x3  }
0x45: {  	[hbm:s30], [sflag:s7] =	dma.local [spmem:s14], $0x1400  }
0x46: {  	_ =	swait.ge [sflag:s29], $0x1400  }
0x47: {  	[sflag:s29] =	ssyncset.done $0x0;
	s16 =	rddreg [dreg:$0x8]  }
0x48: {  	s30 =	rddreg [dreg:$0x10];
	[sflag:s29] =	ssyncadd.s32 $0xFFFFEC00;
	s14 =	sshrl.u32 s16, $0x3  }
0x49: {  	[hbm:s30], [sflag:s7] =	dma.local [spmem:s14], $0x500  }
0x4a: {  	_ =	swait.ge [sflag:s29], $0x500  }
0x4b: {  	s16 =	rddreg [dreg:$0x1a]  }
0x4c: {  	s30 =	rddreg [dreg:$0x19];
	s14 =	sadd.s32 $0x1, s16  }
0x4d: {  	p1 =	sne.s32 s14, s30  }
.Ltmp1:
0x4e: {  	_ = 	snop;
	(pc) =	sbr.rel @!p1 .LBB2_11-.Ltmp1, $3  }
0x4f: {  	_ =	sdelay $0x1  }
0x50: {  	[sflag:s29] =	ssyncset.done $0x0  }
0x51: {  	[sflag:s29] =	ssyncadd.s32 $0xFFFFFB00  }
.LBB2_1:
0x52: {  	[dreg:$0x1a] =	wrdreg s14;
	s30 =	simm.s32 $0x100;
	s7 =	simm.s32 $0x0  }
.LBB2_2:
0x53: {  	p1 =	sne.s32 s30, $0x7F00;
	[tilespmem:s7+$0x630] =	vst v0;
	s14 =	smov.u32 s30;
	s30 =	sadd.s32 $0x100, s30  }
.Ltmp2:
0x54: {  	[tilespmem:s7+$0x620] =	vst v0;
	(pc) =	sbr.rel @p1 .LBB2_2-.Ltmp2, $3  }
0x55: {  	[tilespmem:s7+$0x600] =	vst v0  }
0x56: {  	[tilespmem:s7+$0x610] =	vst v0;
	_ =	sdelay $0x1  }
0x57: {  	s7 =	sshra.s32 s14, $0x2  }
0x58: {  	[tilespmem:s7+$0x630] =	vst v0  }
0x59: {  	[tilespmem:s7+$0x620] =	vst v0  }
0x5a: {  	[tilespmem:s7+$0x600] =	vst v0  }
0x5b: {  	[tilespmem:s7+$0x610] =	vst v0;
	s7 =	simm.s32 $0x40;
	s30 =	simm.s32 $0x0  }
.LBB2_4:
0x5c: {  	p1 =	sne.s32 s7, $0x1FC0;
	[tilespmem:s30+$0xCE00] =	vst v0;
	s14 =	smov.u32 s7;
	s7 =	sadd.s32 $0x40, s7  }
.Ltmp3:
0x5d: {  	(pc) =	sbr.rel @p1 .LBB2_4-.Ltmp3, $2  }
0x5e: {  	_ =	sdelay $0x2  }
0x5f: {  	s30 =	sshra.s32 s14, $0x2  }
0x60: {  	[tilespmem:s30+$0xCE00] =	vst v0;
	s7 =	simm.s32 $0x40;
	s30 =	simm.s32 $0x0  }
.LBB2_6:
0x61: {  	p1 =	sne.s32 s7, $0x1FC0;
	[tilespmem:s30+$0xC600] =	vst v1;
	s14 =	smov.u32 s7;
	s7 =	sadd.s32 $0x40, s7  }
.Ltmp4:
0x62: {  	(pc) =	sbr.rel @p1 .LBB2_6-.Ltmp4, $2  }
0x63: {  	_ =	sdelay $0x2  }
0x64: {  	s30 =	sshra.s32 s14, $0x2  }
0x65: {  	[tilespmem:s30+$0xC600] =	vst v1;
	s7 =	rddreg [dreg:$0x7]  }
0x66: {  	[spmem:s7] =	stream.linear.scatter [tilespmem:s28], [sflag:$0x7], $0x2000, $0x38;
	[tilespmem:$0x19E00] =	vst v63  }
0x67: {  	_ =	swait.ge [sflag:s29], $0x2000  }
0x68: {  	[sflag:s29] =	ssyncset.done $0x0  }
0x69: {  	s14 =	simm.s32 $0xCE00;
	s30 =	rddreg [dreg:$0x8];
	[sflag:s29] =	ssyncadd.s32 $0xFFFFE000  }
0x6a: {  	[spmem:s30] =	stream.linear.scatter [tilespmem:s14], [sflag:$0x7], $0x800, $0x38;
	[tilespmem:$0x19E00] =	vst v63  }
0x6b: {  	_ =	swait.ge [sflag:s29], $0x800  }
0x6c: {  	[sflag:s29] =	ssyncset.done $0x0  }
0x6d: {  	s16 =	rddreg [dreg:$0x9];
	[sflag:s29] =	ssyncadd.s32 $0xFFFFF800  }
0x6e: {  	[spmem:s16] =	stream.linear.scatter [tilespmem:s28], [sflag:$0x7], $0x2000, $0x38;
	[tilespmem:$0x19E00] =	vst v63  }
0x6f: {  	_ =	swait.ge [sflag:s29], $0x2000  }
0x70: {  	[sflag:s29] =	ssyncset.done $0x0  }
0x71: {  	s30 =	rddreg [dreg:$0xa];
	[sflag:s29] =	ssyncadd.s32 $0xFFFFE000  }
0x72: {  	[spmem:s30] =	stream.linear.scatter [tilespmem:s14], [sflag:$0x7], $0x800, $0x38;
	[tilespmem:$0x19E00] =	vst v63  }
0x73: {  	_ =	swait.ge [sflag:s29], $0x800  }
0x74: {  	[sflag:s29] =	ssyncset.done $0x0  }
0x75: {  	s16 =	rddreg [dreg:$0xb];
	[sflag:s29] =	ssyncadd.s32 $0xFFFFF800  }
0x76: {  	[spmem:s16] =	stream.linear.scatter [tilespmem:s28], [sflag:$0x7], $0x2000, $0x38;
	[tilespmem:$0x19E00] =	vst v63  }
0x77: {  	_ =	swait.ge [sflag:s29], $0x2000  }
0x78: {  	[sflag:s29] =	ssyncset.done $0x0  }
0x79: {  	s30 =	rddreg [dreg:$0x13];
	[sflag:s29] =	ssyncadd.s32 $0xFFFFE000  }
0x7a: {  	[spmem:s30] =	stream.linear.scatter [tilespmem:s14], [sflag:$0x7], $0x800, $0x38;
	[tilespmem:$0x19E00] =	vst v63  }
0x7b: {  	_ =	swait.ge [sflag:s29], $0x800  }
0x7c: {  	[sflag:s29] =	ssyncset.done $0x0  }
0x7d: {  	s16 =	rddreg [dreg:$0x14];
	[sflag:s29] =	ssyncadd.s32 $0xFFFFF800  }
0x7e: {  	[spmem:s16] =	stream.linear.scatter [tilespmem:s28], [sflag:$0x7], $0x2000, $0x38;
	[tilespmem:$0x19E00] =	vst v63  }
0x7f: {  	_ =	swait.ge [sflag:s29], $0x2000  }
0x80: {  	[sflag:s29] =	ssyncset.done $0x0  }
0x81: {  	s30 =	rddreg [dreg:$0x15];
	[sflag:s29] =	ssyncadd.s32 $0xFFFFE000  }
0x82: {  	[spmem:s30] =	stream.linear.scatter [tilespmem:s14], [sflag:$0x7], $0x800, $0x38;
	[tilespmem:$0x19E00] =	vst v63  }
0x83: {  	_ =	swait.ge [sflag:s29], $0x800  }
0x84: {  	[sflag:s29] =	ssyncset.done $0x0  }
0x85: {  	s16 =	rddreg [dreg:$0x16];
	[sflag:s29] =	ssyncadd.s32 $0xFFFFF800  }
0x86: {  	[spmem:s16] =	stream.linear.scatter [tilespmem:s28], [sflag:$0x7], $0x2000, $0x38;
	[tilespmem:$0x19E00] =	vst v63  }
0x87: {  	_ =	swait.ge [sflag:s29], $0x2000  }
0x88: {  	[sflag:s29] =	ssyncset.done $0x0  }
0x89: {  	s30 =	rddreg [dreg:$0x17];
	[sflag:s29] =	ssyncadd.s32 $0xFFFFE000  }
0x8a: {  	[spmem:s30] =	stream.linear.scatter [tilespmem:s14], [sflag:$0x7], $0x800, $0x38;
	[tilespmem:$0x19E00] =	vst v63  }
0x8b: {  	_ =	swait.ge [sflag:s29], $0x800  }
0x8c: {  	[sflag:s29] =	ssyncset.done $0x0  }
0x8d: {  	[sflag:s29] =	ssyncadd.s32 $0xFFFFF800  }
0x8e: {  	[bflag:$0x0] =	sbarrier.arrive $0xFFFF  }
0x8f: {  	s7 =	simm.s32 $0x0;
	s16 =	rddreg [dreg:$0xc]  }
0x90: {  	[tilespmem:s7], [sflag:$0x5] =	stream.linear.gather [hbm4b:s16+s7], $0x180, $0x38;
	[tilespmem:$0x19E00] =	vst v63  }
0x91: {  	s30 =	rddreg [dreg:$0xd]  }
0x92: {  	[tilespmem:s31], [sflag:$0x5] =	stream.linear.gather [hbm4b:s30+s7], $0x180, $0x38;
	[tilespmem:$0x19E00] =	vst v63  }
0x93: {  	s16 =	rddreg [dreg:$0xe]  }
0x94: {  	[tilespmem:s0], [sflag:$0x6] =	stream.linear.gather [hbm4b:s16+s7], $0x180, $0x38;
	[tilespmem:$0x19E00] =	vst v63  }
0x95: {  	s30 =	rddreg [dreg:$0xf];
	s16 =	simm.s32 $0x5  }
0x96: {  	[tilespmem:s1], [sflag:$0x6] =	stream.linear.gather [hbm4b:s30+s7], $0x180, $0x38;
	[tilespmem:$0x19E00] =	vst v63  }
0x97: {  	_ =	swait.ge [sflag:s16], $0x180  }
0x98: {  	[sflag:s16] =	ssyncset.done $0x0  }
0x99: {  	[sflag:s16] =	ssyncadd.s32 $0xFFFFFE80  }
0x9a: {  	_ =	swait.ge [sflag:s16], $0x180  }
0x9b: {  	[sflag:s16] =	ssyncset.done $0x0  }
0x9c: {  	[sflag:s16] =	ssyncadd.s32 $0xFFFFFE80  }
0x9d: {  	[tilespmem:s28], [sflag:$0x1] =	stream.indirect.gather [hbm4b:s13+s8], $0x40, s7, s8, $0xb8;
	[tilespmem:$0x19E00] =	vst v63  }
0x9e: {  	_ = 	snop  }
0x9f: {  	[tilespmem:s9], [sflag:$0x1] =	stream.indirect.gather [hbm4b:s13+s8], $0x40, s8, s8, $0xb8;
	[tilespmem:$0x19E00] =	vst v63  }
0xa0: {  	s30 =	simm.s32 $0x100  }
0xa1: {  	[tilespmem:s10], [sflag:$0x1] =	stream.indirect.gather [hbm4b:s13+s8], $0x40, s30, s8, $0xb8;
	[tilespmem:$0x19E00] =	vst v63  }
.LBB2_8:
0xa2: {  	_ =	swait.ge [sflag:s11], $0x180  }
0xa3: {  	[sflag:s11] =	ssyncset.done $0x0  }
0xa4: {  	[sflag:s11] =	ssyncadd.s32 $0xFFFFFE80  }
0xa5: {  	_ =	swait.ge [sflag:s11], $0x180  }
0xa6: {  	[sflag:s11] =	ssyncset.done $0x0  }
0xa7: {  	[sflag:s11] =	ssyncadd.s32 $0xFFFFFE80  }
0xa8: {  	[tilespmem:s12], [sflag:$0x2] =	stream.indirect.gather [hbm4b:s13+s8], $0x40, s0, s8, $0xb8;
	[tilespmem:$0x19E00] =	vst v63  }
0xa9: {  	s14 =	simm.s32 $0x200  }
0xaa: {  	[tilespmem:s15], [sflag:$0x2] =	stream.indirect.gather [hbm4b:s13+s8], $0x40, s14, s8, $0xb8;
	[tilespmem:$0x19E00] =	vst v63  }
0xab: {  	s30 =	simm.s32 $0x280  }
0xac: {  	[tilespmem:s17], [sflag:$0x2] =	stream.indirect.gather [hbm4b:s13+s8], $0x40, s30, s8, $0xb8;
	[tilespmem:$0x19E00] =	vst v63  }
0xad: {  	_ =	swait.ge [sflag:s20], $0x2000  }
0xae: {  	[sflag:s20] =	ssyncset.done $0x0  }
0xaf: {  	[sflag:s20] =	ssyncadd.s32 $0xFFFFE000  }
0xb0: {  	_ =	swait.ge [sflag:s20], $0x2000  }
0xb1: {  	[sflag:s20] =	ssyncset.done $0x0  }
0xb2: {  	[sflag:s20] =	ssyncadd.s32 $0xFFFFE000  }
0xb3: {  	_ =	swait.ge [sflag:s20], $0x2000  }
0xb4: {  	[sflag:s20] =	ssyncset.done $0x0  }
0xb5: {  	[sflag:s20] =	ssyncadd.s32 $0xFFFFE000  }
0xb6: {  	[spmem:s2] =	stream.indirect.scatter.add.f32 [tilespmem:s28], [sflag:$0x3], $0x40, s31, s8, $0xb8;
	[tilespmem:$0x19E00] =	vst v63  }
0xb7: {  	_ = 	snop  }
0xb8: {  	[spmem:s3] =	stream.indirect.scatter.add.f32 [tilespmem:s21], [sflag:$0x3], $0x10, s31, s8, $0xb8;
	[tilespmem:$0x19E00] =	vst v63  }
0xb9: {  	_ = 	snop  }
0xba: {  	[spmem:s2] =	stream.indirect.scatter.add.f32 [tilespmem:s9], [sflag:$0x3], $0x40, s22, s8, $0xb8;
	[tilespmem:$0x19E00] =	vst v63  }
0xbb: {  	_ = 	snop  }
0xbc: {  	[spmem:s3] =	stream.indirect.scatter.add.f32 [tilespmem:s21], [sflag:$0x3], $0x10, s22, s8, $0xb8;
	[tilespmem:$0x19E00] =	vst v63  }
0xbd: {  	_ = 	snop  }
0xbe: {  	[spmem:s2] =	stream.indirect.scatter.add.f32 [tilespmem:s10], [sflag:$0x3], $0x40, s23, s8, $0xb8;
	[tilespmem:$0x19E00] =	vst v63  }
0xbf: {  	_ = 	snop  }
0xc0: {  	[spmem:s3] =	stream.indirect.scatter.add.f32 [tilespmem:s21], [sflag:$0x3], $0x10, s23, s8, $0xb8;
	[tilespmem:$0x19E00] =	vst v63  }
0xc1: {  	_ =	swait.ge [sflag:s24], $0x2000  }
0xc2: {  	[sflag:s24] =	ssyncset.done $0x0  }
0xc3: {  	[sflag:s24] =	ssyncadd.s32 $0xFFFFE000  }
0xc4: {  	_ =	swait.ge [sflag:s24], $0x800  }
0xc5: {  	[sflag:s24] =	ssyncset.done $0x0  }
0xc6: {  	[sflag:s24] =	ssyncadd.s32 $0xFFFFF800  }
0xc7: {  	_ =	swait.ge [sflag:s24], $0x2000  }
0xc8: {  	[sflag:s24] =	ssyncset.done $0x0  }
0xc9: {  	[sflag:s24] =	ssyncadd.s32 $0xFFFFE000  }
0xca: {  	_ =	swait.ge [sflag:s24], $0x800  }
0xcb: {  	[sflag:s24] =	ssyncset.done $0x0  }
0xcc: {  	[sflag:s24] =	ssyncadd.s32 $0xFFFFF800  }
0xcd: {  	_ =	swait.ge [sflag:s24], $0x2000  }
0xce: {  	[sflag:s24] =	ssyncset.done $0x0  }
0xcf: {  	[sflag:s24] =	ssyncadd.s32 $0xFFFFE000  }
0xd0: {  	p1 =	seq.s32 s7, $0x960;
	_ =	swait.ge [sflag:s24], $0x800  }
0xd1: {  	s14 =	sadd.s32 @!p1 s7, s19;
	[sflag:s24] =	ssyncset.done $0x0  }
0xd2: {  	s14 =	sadd.s32 @!p1 $0x60, s14;
	s30 =	simm.s32 @!p1 $0x0;
	[sflag:s24] =	ssyncadd.s32 $0xFFFFF800  }
0xd3: {  	[tilespmem:s30], [sflag:$0x5] =	stream.linear.gather @!p1 [hbm4b:s14+s30], $0x180, $0x38;
	[tilespmem:$0x19E00] =	vst v63  }
0xd4: {  	s14 =	sadd.s32 @!p1 s7, s18  }
0xd5: {  	s16 =	simm.s32 @!p1 $0x300;
	s14 =	sadd.s32 @!p1 $0x60, s14  }
0xd6: {  	[tilespmem:s16], [sflag:$0x5] =	stream.linear.gather @!p1 [hbm4b:s14+s30], $0x180, $0x38;
	[tilespmem:$0x19E00] =	vst v63  }
0xd7: {  	_ =	swait.ge [sflag:s25], $0x2000  }
0xd8: {  	[sflag:s25] =	ssyncset.done $0x0  }
0xd9: {  	[sflag:s25] =	ssyncadd.s32 $0xFFFFE000  }
0xda: {  	_ =	swait.ge [sflag:s25], $0x2000  }
0xdb: {  	[sflag:s25] =	ssyncset.done $0x0  }
0xdc: {  	[sflag:s25] =	ssyncadd.s32 $0xFFFFE000  }
0xdd: {  	_ =	swait.ge [sflag:s25], $0x2000  }
0xde: {  	[sflag:s25] =	ssyncset.done $0x0  }
0xdf: {  	[sflag:s25] =	ssyncadd.s32 $0xFFFFE000  }
0xe0: {  	[spmem:s2] =	stream.indirect.scatter.add.f32 [tilespmem:s12], [sflag:$0x4], $0x40, s1, s8, $0xb8;
	[tilespmem:$0x19E00] =	vst v63  }
0xe1: {  	_ = 	snop  }
0xe2: {  	[spmem:s3] =	stream.indirect.scatter.add.f32 [tilespmem:s21], [sflag:$0x4], $0x10, s1, s8, $0xb8;
	[tilespmem:$0x19E00] =	vst v63  }
0xe3: {  	_ = 	snop  }
0xe4: {  	[spmem:s2] =	stream.indirect.scatter.add.f32 [tilespmem:s15], [sflag:$0x4], $0x40, s26, s8, $0xb8;
	[tilespmem:$0x19E00] =	vst v63  }
0xe5: {  	_ = 	snop  }
0xe6: {  	[spmem:s3] =	stream.indirect.scatter.add.f32 [tilespmem:s21], [sflag:$0x4], $0x10, s26, s8, $0xb8;
	[tilespmem:$0x19E00] =	vst v63  }
0xe7: {  	_ = 	snop  }
0xe8: {  	[spmem:s2] =	stream.indirect.scatter.add.f32 [tilespmem:s17], [sflag:$0x4], $0x40, s5, s8, $0xb8;
	[tilespmem:$0x19E00] =	vst v63  }
0xe9: {  	s14 =	simm.s32 @!p1 $0x5  }
0xea: {  	[spmem:s3] =	stream.indirect.scatter.add.f32 [tilespmem:s21], [sflag:$0x4], $0x10, s5, s8, $0xb8;
	[tilespmem:$0x19E00] =	vst v63  }
0xeb: {  	_ =	swait.ge @!p1 [sflag:s14], $0x180  }
0xec: {  	[sflag:s14] =	ssyncset.done @!p1 $0x0  }
0xed: {  	[sflag:s14] =	ssyncadd.s32 @!p1 $0xFFFFFE80  }
0xee: {  	_ =	swait.ge @!p1 [sflag:s14], $0x180  }
0xef: {  	[sflag:s14] =	ssyncset.done @!p1 $0x0  }
0xf0: {  	s16 =	simm.s32 @!p1 $0x600;
	[sflag:s14] =	ssyncadd.s32 @!p1 $0xFFFFFE80;
	s14 =	simm.s32 @!p1 $0x80  }
0xf1: {  	[tilespmem:s16], [sflag:$0x1] =	stream.indirect.gather @!p1 [hbm4b:s13+s14], $0x40, s30, s14, $0xb8;
	[tilespmem:$0x19E00] =	vst v63  }
0xf2: {  	s16 =	simm.s32 @!p1 $0x2600  }
0xf3: {  	[tilespmem:s16], [sflag:$0x1] =	stream.indirect.gather @!p1 [hbm4b:s13+s14], $0x40, s14, s14, $0xb8;
	[tilespmem:$0x19E00] =	vst v63  }
0xf4: {  	s30 =	simm.s32 @!p1 $0x4600;
	s16 =	simm.s32 @!p1 $0x100  }
0xf5: {  	[tilespmem:s30], [sflag:$0x1] =	stream.indirect.gather @!p1 [hbm4b:s13+s14], $0x40, s16, s14, $0xb8;
	[tilespmem:$0x19E00] =	vst v63  }
0xf6: {  	_ =	swait.ge [sflag:s6], $0x2000  }
0xf7: {  	[sflag:s6] =	ssyncset.done $0x0  }
0xf8: {  	[sflag:s6] =	ssyncadd.s32 $0xFFFFE000  }
0xf9: {  	_ =	swait.ge [sflag:s6], $0x800  }
0xfa: {  	[sflag:s6] =	ssyncset.done $0x0  }
0xfb: {  	[sflag:s6] =	ssyncadd.s32 $0xFFFFF800  }
0xfc: {  	_ =	swait.ge [sflag:s6], $0x2000  }
0xfd: {  	[sflag:s6] =	ssyncset.done $0x0  }
0xfe: {  	[sflag:s6] =	ssyncadd.s32 $0xFFFFE000  }
0xff: {  	_ =	swait.ge [sflag:s6], $0x800  }
0x100: {  	[sflag:s6] =	ssyncset.done $0x0  }
0x101: {  	[sflag:s6] =	ssyncadd.s32 $0xFFFFF800  }
0x102: {  	_ =	swait.ge [sflag:s6], $0x2000  }
.Ltmp5:
0x103: {  	[sflag:s6] =	ssyncset.done $0x0;
	(pc) =	sbr.rel @p1 .LBB2_10-.Ltmp5, $4  }
0x104: {  	[sflag:s6] =	ssyncadd.s32 $0xFFFFE000  }
0x105: {  	_ =	swait.ge [sflag:s6], $0x800  }
0x106: {  	[sflag:s6] =	ssyncset.done $0x0  }
0x107: {  	[sflag:s6] =	ssyncadd.s32 $0xFFFFF800  }
.Ltmp6:
0x108: {  	s14 =	sadd.s32 s7, s19;
	(pc) =	sbr.rel .LBB2_8-.Ltmp6, $4  }
0x109: {  	s30 =	sadd.s32 s7, s18;
	s14 =	sadd.s32 $0x90, s14  }
0x10a: {  	[tilespmem:s0], [sflag:$0x6] =	stream.linear.gather [hbm4b:s14+s4], $0x180, $0x38;
	[tilespmem:$0x19E00] =	vst v63  }
0x10b: {  	s7 =	sadd.s32 $0x60, s7;
	s14 =	sadd.s32 $0x90, s30  }
0x10c: {  	[tilespmem:s1], [sflag:$0x6] =	stream.linear.gather [hbm4b:s14+s4], $0x180, $0x38;
	[tilespmem:$0x19E00] =	vst v63  }
.LBB2_11:
0x10d: {  	_ =	sfence.sel $0x180000  }
0x10e: {  	[bflag:$0x0] =	sbarrier.arrive $0xFFFF  }
0x10f: {  	_ =	strace $0x90000047  }
0x110: {  	s0 =	stileid.u32;
	[bflag:$0x2] =	sbarrier.arrive $0xFFFF  }
0x111: {  	p0 =	sne.s32 s0, $0x0;
	s0 =	rddreg [dreg:$0x6]  }
0x112: {  	s0 =	sadd.s32 @!p0 $0x100000, s0  }
0x113: {  	[sflag:s0] =	ssyncadd.tile.s32 @!p0 $0x1;
	_ =	shalt  }
.Lfunc_end2:
_tile_overlayer_lowered:
.L_overlay_start_2:
0x114: {  	(tag) =	ssettag $0x2  }
0x115: {  	s0 =	rddreg [dreg:$0x0];
	s2 =	stileid.u32  }
0x116: {  	s1 =	rddreg [dreg:$0x1];
	p0 =	sne.s32 s2, $0x0  }
0x117: {  	s3 =	rddreg [dreg:$0x2];
	[bflag:$0x3] =	sbarrier.arrive $0xFFFF;
	s2 =	simm.s32 @!p0 $0x1C07  }
0x118: {  	[timem:s3], [sflag:s2] =	dma.local @!p0 [hbm:s0], s1  }
0x119: {  	s0 =	simm.s32 @!p0 $0x7  }
0x11a: {  	_ =	swait.ge @!p0 [sflag:s0], s1  }
0x11b: {  	s1 =	ssub.s32 @!p0 $0x0, s1;
	[sflag:s0] =	ssyncset.done @!p0 $0x0  }
0x11c: {  	[sflag:s0] =	ssyncadd.s32 @!p0 s1  }
0x11d: {  	[bflag:$0x3] =	sbarrier.arrive $0xFFFF  }
0x11e: {  	_ =	shalt  }

</sc_bundles>
